<compile_context>
chip_gen: v7x
topology: tpu7x:2x2x1
jax: 0.10.2.dev20260603
libtpu: 0.0.44.dev20260713+nightly
codegen_flags: <defaults>
</compile_context>

<pallas_src>
import functools

import jax
import jax.numpy as jnp
from jax import lax
from jax.experimental import pallas as pl
from jax.experimental.pallas import tpu as pltpu
from jax.experimental.pallas import tpu_sc as plsc

_N = 16777216
_L = 16
_CW = 128
_CH = 131072
_NCOPIES = _N // _CH


@functools.partial(
    pl.kernel,
    mesh=plsc.VectorSubcoreMesh(core_axis_name="c", subcore_axis_name="s",
                                num_cores=1),
    out_type=jax.ShapeDtypeStruct((_CW,), jnp.float32),
    scratch_types=[
        pltpu.VMEM((_L,), jnp.int32),
        pltpu.VMEM((_L,), jnp.float32),
        pltpu.VMEM((_CW,), jnp.float32),
    ],
)
def _sc_resolve(idx_hbm, grad_hbm, chunk_hbm, iv, gv, cbuf):
    c = lax.axis_index("c")
    s = lax.axis_index("s")

    @pl.when((c == 0) & (s == 0))
    def _():
        pltpu.sync_copy(idx_hbm, iv.at[pl.ds(0, 1)])
        pltpu.sync_copy(grad_hbm, gv.at[pl.ds(0, 1)])
        off = iv[...][0] % _CW
        g0 = gv[...][0]
        lanes = lax.iota(jnp.int32, _L)
        for j in range(_CW // _L):
            cbuf[pl.ds(j * _L, _L)] = jnp.where(lanes + j * _L == off, g0, 0.0)
        pltpu.sync_copy(cbuf, chunk_hbm)


def _fill_body(out_ref, zbuf, sem):
    zbuf[...] = jnp.zeros_like(zbuf)
    copies = [
        pltpu.make_async_copy(zbuf, out_ref.at[pl.ds(k * _CH, _CH)], sem)
        for k in range(_NCOPIES)
    ]
    for cp in copies:
        cp.start()
    for cp in copies:
        cp.wait()


def _commit_body(idx_ref, zeros_ref, chunk_ref, out_ref, sem):
    del zeros_ref
    aligned = pl.multiple_of((idx_ref[0] // _CW) * _CW, _CW)
    cp = pltpu.make_async_copy(chunk_ref, out_ref.at[pl.ds(aligned, _CW)], sem)
    cp.start()
    cp.wait()


def kernel(grad_output, input_sizes, dim, index, out):
    del input_sizes, dim, out
    idx1 = jnp.asarray(index, jnp.int32).reshape((1,))
    grad1 = jnp.asarray(grad_output, jnp.float32).reshape((1,))

    chunk = _sc_resolve(idx1, grad1)
    zeros = pl.pallas_call(
        _fill_body,
        out_specs=pl.BlockSpec(memory_space=pl.ANY),
        out_shape=jax.ShapeDtypeStruct((_N,), jnp.float32),
        scratch_shapes=[
            pltpu.VMEM((_CH,), jnp.float32),
            pltpu.SemaphoreType.DMA,
        ],
    )()
    res = pl.pallas_call(
        _commit_body,
        in_specs=[pl.BlockSpec(memory_space=pltpu.SMEM),
                  pl.BlockSpec(memory_space=pl.ANY),
                  pl.BlockSpec(memory_space=pltpu.VMEM)],
        out_specs=pl.BlockSpec(memory_space=pl.ANY),
        out_shape=jax.ShapeDtypeStruct((_N,), jnp.float32),
        input_output_aliases={1: 0},
        scratch_shapes=[pltpu.SemaphoreType.DMA],
    )(idx1, zeros, chunk)
    return res

# --- scband reference (transcript-rebuilt; emitter-appended) ---
"""Pipeline reference for scband-torch-ops-aten-select-backward-out-module-66236985639587 (READ-ONLY COPY).

The authoritative reference and input builder live on the scoring server;
editing this copy changes nothing except your own understanding.
"""

import jax, jax.numpy as jnp
import numpy as np

N = 16777216

def setup_inputs(seed: int = 0) -> dict:
    key = jax.random.key(seed)
    grad_output = jax.random.normal(jax.random.fold_in(key, 0), (), dtype=jnp.float32)
    return {
        "grad_output": grad_output,
        "input_sizes": N,
        "dim": 0,
        "index": 7777777,
        "out": jnp.zeros((N,), dtype=jnp.float32),
    }

def reference(grad_output, input_sizes, dim, index, out):
    # aten.select_backward.out: out is overwritten with zeros(input_sizes),
    # then grad_output is written into the slice selected by (dim, index).
    n = out.shape[0]
    res = jnp.zeros((n,), dtype=grad_output.dtype)
    idx = (index + dim) % input_sizes
    res = res.at[idx].set(grad_output)
    return res

if __name__ == "__main__":
    import jax
    _d = setup_inputs()
    print(jax.jit(kernel)(*tuple(_d.values())))

</pallas_src>

<mosaic_0001>
#map = affine_map<(d0, d1) -> (0)>
module attributes {stable_mosaic.version = 14 : i64} {
  func.func @_sc_resolve(%arg0: i32, %arg1: i32, %arg2: memref<1xi32, #tpu.memory_space<hbm>>, %arg3: memref<1xf32, #tpu.memory_space<hbm>>, %arg4: memref<128xf32, #tpu.memory_space<hbm>>, %arg5: memref<16xi32, #tpu.memory_space<vmem>>, %arg6: memref<16xf32, #tpu.memory_space<vmem>>, %arg7: memref<128xf32, #tpu.memory_space<vmem>>) attributes {dimension_semantics = [#tpu.dimension_semantics<core_parallel>, #tpu.dimension_semantics<subcore_parallel>], iteration_bounds = array<i64: 1, 16>, scalar_prefetch = 0 : i64, scratch_operands = 3 : i64, tpu.core_type = #tpu.core_type<sc_vector_subcore>, window_params = [{transform_indices = #map}, {transform_indices = #map}, {transform_indices = #map}]} {
    %eq3A = arith.constant 0 : i32
    %eq3A_0 = arith.cmpi eq, %arg0, %eq3A : i32
    %eq3A_1 = arith.constant 0 : i32
    %eq3A_2 = arith.cmpi eq, %arg1, %eq3A_1 : i32
    %and3A = arith.andi %eq3A_0, %eq3A_2 : i1
    %convert_element_type3A = arith.extui %and3A : i1 to i32
    %cond3A = arith.constant 0 : i32
    %cond3A_3 = arith.cmpi ne, %convert_element_type3A, %cond3A : i32
    scf.if %cond3A_3 {
      "tpu.region"() ({
        %run_scoped3A = tpu.sem_alloc : memref<!tpu.dma_semaphore, #tpu.memory_space<semaphore_mem>>
        %dma_start3A = arith.constant 0 : i32
        %dma_start3A_123 = tpu.memref_slice %arg5[%dma_start3A] : memref<16xi32, #tpu.memory_space<vmem>> -> memref<1xi32, #tpu.memory_space<vmem>>
        %dma_start3A_124 = arith.constant 0 : i32
        %dma_start3A_125 = tpu.memref_slice %arg5[%dma_start3A_124] : memref<16xi32, #tpu.memory_space<vmem>> -> memref<1xi32, #tpu.memory_space<vmem>>
        tpu.enqueue_dma source(%arg2 : memref<1xi32, #tpu.memory_space<hbm>>) target(%dma_start3A_125 : memref<1xi32, #tpu.memory_space<vmem>>) target_semaphore(%run_scoped3A : memref<!tpu.dma_semaphore, #tpu.memory_space<semaphore_mem>>)
        %dma_wait3A = arith.constant 0 : i32
        %dma_wait3A_126 = tpu.memref_slice %arg5[%dma_wait3A] : memref<16xi32, #tpu.memory_space<vmem>> -> memref<1xi32, #tpu.memory_space<vmem>>
        %dma_wait3A_127 = arith.constant 0 : i32
        %dma_wait3A_128 = tpu.memref_slice %arg5[%dma_wait3A_127] : memref<16xi32, #tpu.memory_space<vmem>> -> memref<1xi32, #tpu.memory_space<vmem>>
        tpu.wait_dma2 semaphore(%run_scoped3A : memref<!tpu.dma_semaphore, #tpu.memory_space<semaphore_mem>>) src(%arg2 : memref<1xi32, #tpu.memory_space<hbm>>) dst(%dma_wait3A_128 : memref<1xi32, #tpu.memory_space<vmem>>)
        tpu.yield
      }) : () -> ()
      "tpu.region"() ({
        %run_scoped3A = tpu.sem_alloc : memref<!tpu.dma_semaphore, #tpu.memory_space<semaphore_mem>>
        %dma_start3A = arith.constant 0 : i32
        %dma_start3A_123 = tpu.memref_slice %arg6[%dma_start3A] : memref<16xf32, #tpu.memory_space<vmem>> -> memref<1xf32, #tpu.memory_space<vmem>>
        %dma_start3A_124 = arith.constant 0 : i32
        %dma_start3A_125 = tpu.memref_slice %arg6[%dma_start3A_124] : memref<16xf32, #tpu.memory_space<vmem>> -> memref<1xf32, #tpu.memory_space<vmem>>
        tpu.enqueue_dma source(%arg3 : memref<1xf32, #tpu.memory_space<hbm>>) target(%dma_start3A_125 : memref<1xf32, #tpu.memory_space<vmem>>) target_semaphore(%run_scoped3A : memref<!tpu.dma_semaphore, #tpu.memory_space<semaphore_mem>>)
        %dma_wait3A = arith.constant 0 : i32
        %dma_wait3A_126 = tpu.memref_slice %arg6[%dma_wait3A] : memref<16xf32, #tpu.memory_space<vmem>> -> memref<1xf32, #tpu.memory_space<vmem>>
        %dma_wait3A_127 = arith.constant 0 : i32
        %dma_wait3A_128 = tpu.memref_slice %arg6[%dma_wait3A_127] : memref<16xf32, #tpu.memory_space<vmem>> -> memref<1xf32, #tpu.memory_space<vmem>>
        tpu.wait_dma2 semaphore(%run_scoped3A : memref<!tpu.dma_semaphore, #tpu.memory_space<semaphore_mem>>) src(%arg3 : memref<1xf32, #tpu.memory_space<hbm>>) dst(%dma_wait3A_128 : memref<1xf32, #tpu.memory_space<vmem>>)
        tpu.yield
      }) : () -> ()
      %get3A = arith.constant 0 : index
      %get3A_4 = tpu.vector_load %arg5[%get3A] {strides = array<i32>} : memref<16xi32, #tpu.memory_space<vmem>>, vector<16xi32>,
      %get3A_5 = vector.shape_cast %get3A_4 : vector<16xi32> to vector<16xi32>
      %slice3A = vector.extract_strided_slice %get3A_5 {offsets = [0], sizes = [1], strides = [1]} : vector<16xi32> to vector<1xi32>
      %squeeze3A = vector.extract %slice3A[0] : i32 from vector<1xi32>
      %jit3A = arith.constant 128 : i32
      %eq3A_6 = arith.constant 0 : i32
      %eq3A_7 = arith.cmpi eq, %jit3A, %eq3A_6 : i32
      %jit3A_8 = arith.constant 1 : i32
      %select_n3A = arith.select %eq3A_7, %jit3A_8, %jit3A : i32
      %rem3A = arith.remsi %squeeze3A, %select_n3A : i32
      %ne3A = arith.constant 0 : i32
      %ne3A_9 = arith.cmpi ne, %rem3A, %ne3A : i32
      %lt3A = arith.constant 0 : i32
      %lt3A_10 = arith.cmpi slt, %rem3A, %lt3A : i32
      %lt3A_11 = arith.constant 0 : i32
      %lt3A_12 = arith.cmpi slt, %select_n3A, %lt3A_11 : i32
      %ne3A_13 = arith.xori %lt3A_10, %lt3A_12 : i1
      %and3A_14 = arith.andi %ne3A_13, %ne3A_9 : i1
      %add3A = arith.addi %rem3A, %select_n3A : i32
      %select_n3A_15 = arith.select %and3A_14, %add3A, %rem3A : i32
      %get3A_16 = arith.constant 0 : index
      %get3A_17 = tpu.vector_load %arg6[%get3A_16] {strides = array<i32>} : memref<16xf32, #tpu.memory_space<vmem>>, vector<16xf32>,
      %get3A_18 = vector.shape_cast %get3A_17 : vector<16xf32> to vector<16xf32>
      %slice3A_19 = vector.extract_strided_slice %get3A_18 {offsets = [0], sizes = [1], strides = [1]} : vector<16xf32> to vector<1xf32>
      %squeeze3A_20 = vector.extract %slice3A_19[0] : f32 from vector<1xf32>
      %iota3A = tpu.iota {dimensions = array<i32: 0>} : vector<16xi32>
      %add3A_21 = arith.constant 0 : i32
      %add3A_22 = vector.broadcast %add3A_21 : i32 to vector<16xi32>
      %add3A_23 = arith.addi %iota3A, %add3A_22 : vector<16xi32>
      %eq3A_24 = vector.broadcast %select_n3A_15 : i32 to vector<16xi32>
      %eq3A_25 = arith.cmpi eq, %add3A_23, %eq3A_24 : vector<16xi32>
      %jit3A_26 = arith.constant 0.000000e+00 : f32
      %broadcast_in_dim3A = vector.broadcast %squeeze3A_20 : f32 to vector<16xf32>
      %broadcast_in_dim3A_27 = vector.broadcast %jit3A_26 : f32 to vector<16xf32>
      %select_n3A_28 = arith.select %eq3A_25, %broadcast_in_dim3A, %broadcast_in_dim3A_27 : vector<16xi1>, vector<16xf32>
      %swap3A = arith.constant 0 : index
      %swap3A_29 = tpu.vector_load %arg7[%swap3A] {strides = array<i32>} : memref<128xf32, #tpu.memory_space<vmem>>, vector<16xf32>,
      %swap3A_30 = vector.shape_cast %swap3A_29 : vector<16xf32> to vector<16xf32>
      %swap3A_31 = vector.shape_cast %select_n3A_28 : vector<16xf32> to vector<16xf32>
      tpu.vector_store %arg7[%swap3A], %swap3A_31 {strides = array<i32>} : memref<128xf32, #tpu.memory_space<vmem>>, vector<16xf32>,
      %add3A_32 = arith.constant 16 : i32
      %add3A_33 = vector.broadcast %add3A_32 : i32 to vector<16xi32>
      %add3A_34 = arith.addi %iota3A, %add3A_33 : vector<16xi32>
      %eq3A_35 = vector.broadcast %select_n3A_15 : i32 to vector<16xi32>
      %eq3A_36 = arith.cmpi eq, %add3A_34, %eq3A_35 : vector<16xi32>
      %jit3A_37 = arith.constant 0.000000e+00 : f32
      %broadcast_in_dim3A_38 = vector.broadcast %squeeze3A_20 : f32 to vector<16xf32>
      %broadcast_in_dim3A_39 = vector.broadcast %jit3A_37 : f32 to vector<16xf32>
      %select_n3A_40 = arith.select %eq3A_36, %broadcast_in_dim3A_38, %broadcast_in_dim3A_39 : vector<16xi1>, vector<16xf32>
      %swap3A_41 = arith.constant 16 : index
      %swap3A_42 = tpu.vector_load %arg7[%swap3A_41] {strides = array<i32>} : memref<128xf32, #tpu.memory_space<vmem>>, vector<16xf32>,
      %swap3A_43 = vector.shape_cast %swap3A_42 : vector<16xf32> to vector<16xf32>
      %swap3A_44 = vector.shape_cast %select_n3A_40 : vector<16xf32> to vector<16xf32>
      tpu.vector_store %arg7[%swap3A_41], %swap3A_44 {strides = array<i32>} : memref<128xf32, #tpu.memory_space<vmem>>, vector<16xf32>,
      %add3A_45 = arith.constant 32 : i32
      %add3A_46 = vector.broadcast %add3A_45 : i32 to vector<16xi32>
      %add3A_47 = arith.addi %iota3A, %add3A_46 : vector<16xi32>
      %eq3A_48 = vector.broadcast %select_n3A_15 : i32 to vector<16xi32>
      %eq3A_49 = arith.cmpi eq, %add3A_47, %eq3A_48 : vector<16xi32>
      %jit3A_50 = arith.constant 0.000000e+00 : f32
      %broadcast_in_dim3A_51 = vector.broadcast %squeeze3A_20 : f32 to vector<16xf32>
      %broadcast_in_dim3A_52 = vector.broadcast %jit3A_50 : f32 to vector<16xf32>
      %select_n3A_53 = arith.select %eq3A_49, %broadcast_in_dim3A_51, %broadcast_in_dim3A_52 : vector<16xi1>, vector<16xf32>
      %swap3A_54 = arith.constant 32 : index
      %swap3A_55 = tpu.vector_load %arg7[%swap3A_54] {strides = array<i32>} : memref<128xf32, #tpu.memory_space<vmem>>, vector<16xf32>,
      %swap3A_56 = vector.shape_cast %swap3A_55 : vector<16xf32> to vector<16xf32>
      %swap3A_57 = vector.shape_cast %select_n3A_53 : vector<16xf32> to vector<16xf32>
      tpu.vector_store %arg7[%swap3A_54], %swap3A_57 {strides = array<i32>} : memref<128xf32, #tpu.memory_space<vmem>>, vector<16xf32>,
      %add3A_58 = arith.constant 48 : i32
      %add3A_59 = vector.broadcast %add3A_58 : i32 to vector<16xi32>
      %add3A_60 = arith.addi %iota3A, %add3A_59 : vector<16xi32>
      %eq3A_61 = vector.broadcast %select_n3A_15 : i32 to vector<16xi32>
      %eq3A_62 = arith.cmpi eq, %add3A_60, %eq3A_61 : vector<16xi32>
      %jit3A_63 = arith.constant 0.000000e+00 : f32
      %broadcast_in_dim3A_64 = vector.broadcast %squeeze3A_20 : f32 to vector<16xf32>
      %broadcast_in_dim3A_65 = vector.broadcast %jit3A_63 : f32 to vector<16xf32>
      %select_n3A_66 = arith.select %eq3A_62, %broadcast_in_dim3A_64, %broadcast_in_dim3A_65 : vector<16xi1>, vector<16xf32>
      %swap3A_67 = arith.constant 48 : index
      %swap3A_68 = tpu.vector_load %arg7[%swap3A_67] {strides = array<i32>} : memref<128xf32, #tpu.memory_space<vmem>>, vector<16xf32>,
      %swap3A_69 = vector.shape_cast %swap3A_68 : vector<16xf32> to vector<16xf32>
      %swap3A_70 = vector.shape_cast %select_n3A_66 : vector<16xf32> to vector<16xf32>
      tpu.vector_store %arg7[%swap3A_67], %swap3A_70 {strides = array<i32>} : memref<128xf32, #tpu.memory_space<vmem>>, vector<16xf32>,
      %add3A_71 = arith.constant 64 : i32
      %add3A_72 = vector.broadcast %add3A_71 : i32 to vector<16xi32>
      %add3A_73 = arith.addi %iota3A, %add3A_72 : vector<16xi32>
      %eq3A_74 = vector.broadcast %select_n3A_15 : i32 to vector<16xi32>
      %eq3A_75 = arith.cmpi eq, %add3A_73, %eq3A_74 : vector<16xi32>
      %jit3A_76 = arith.constant 0.000000e+00 : f32
      %broadcast_in_dim3A_77 = vector.broadcast %squeeze3A_20 : f32 to vector<16xf32>
      %broadcast_in_dim3A_78 = vector.broadcast %jit3A_76 : f32 to vector<16xf32>
      %select_n3A_79 = arith.select %eq3A_75, %broadcast_in_dim3A_77, %broadcast_in_dim3A_78 : vector<16xi1>, vector<16xf32>
      %swap3A_80 = arith.constant 64 : index
      %swap3A_81 = tpu.vector_load %arg7[%swap3A_80] {strides = array<i32>} : memref<128xf32, #tpu.memory_space<vmem>>, vector<16xf32>,
      %swap3A_82 = vector.shape_cast %swap3A_81 : vector<16xf32> to vector<16xf32>
      %swap3A_83 = vector.shape_cast %select_n3A_79 : vector<16xf32> to vector<16xf32>
      tpu.vector_store %arg7[%swap3A_80], %swap3A_83 {strides = array<i32>} : memref<128xf32, #tpu.memory_space<vmem>>, vector<16xf32>,
      %add3A_84 = arith.constant 80 : i32
      %add3A_85 = vector.broadcast %add3A_84 : i32 to vector<16xi32>
      %add3A_86 = arith.addi %iota3A, %add3A_85 : vector<16xi32>
      %eq3A_87 = vector.broadcast %select_n3A_15 : i32 to vector<16xi32>
      %eq3A_88 = arith.cmpi eq, %add3A_86, %eq3A_87 : vector<16xi32>
      %jit3A_89 = arith.constant 0.000000e+00 : f32
      %broadcast_in_dim3A_90 = vector.broadcast %squeeze3A_20 : f32 to vector<16xf32>
      %broadcast_in_dim3A_91 = vector.broadcast %jit3A_89 : f32 to vector<16xf32>
      %select_n3A_92 = arith.select %eq3A_88, %broadcast_in_dim3A_90, %broadcast_in_dim3A_91 : vector<16xi1>, vector<16xf32>
      %swap3A_93 = arith.constant 80 : index
      %swap3A_94 = tpu.vector_load %arg7[%swap3A_93] {strides = array<i32>} : memref<128xf32, #tpu.memory_space<vmem>>, vector<16xf32>,
      %swap3A_95 = vector.shape_cast %swap3A_94 : vector<16xf32> to vector<16xf32>
      %swap3A_96 = vector.shape_cast %select_n3A_92 : vector<16xf32> to vector<16xf32>
      tpu.vector_store %arg7[%swap3A_93], %swap3A_96 {strides = array<i32>} : memref<128xf32, #tpu.memory_space<vmem>>, vector<16xf32>,
      %add3A_97 = arith.constant 96 : i32
      %add3A_98 = vector.broadcast %add3A_97 : i32 to vector<16xi32>
      %add3A_99 = arith.addi %iota3A, %add3A_98 : vector<16xi32>
      %eq3A_100 = vector.broadcast %select_n3A_15 : i32 to vector<16xi32>
      %eq3A_101 = arith.cmpi eq, %add3A_99, %eq3A_100 : vector<16xi32>
      %jit3A_102 = arith.constant 0.000000e+00 : f32
      %broadcast_in_dim3A_103 = vector.broadcast %squeeze3A_20 : f32 to vector<16xf32>
      %broadcast_in_dim3A_104 = vector.broadcast %jit3A_102 : f32 to vector<16xf32>
      %select_n3A_105 = arith.select %eq3A_101, %broadcast_in_dim3A_103, %broadcast_in_dim3A_104 : vector<16xi1>, vector<16xf32>
      %swap3A_106 = arith.constant 96 : index
      %swap3A_107 = tpu.vector_load %arg7[%swap3A_106] {strides = array<i32>} : memref<128xf32, #tpu.memory_space<vmem>>, vector<16xf32>,
      %swap3A_108 = vector.shape_cast %swap3A_107 : vector<16xf32> to vector<16xf32>
      %swap3A_109 = vector.shape_cast %select_n3A_105 : vector<16xf32> to vector<16xf32>
      tpu.vector_store %arg7[%swap3A_106], %swap3A_109 {strides = array<i32>} : memref<128xf32, #tpu.memory_space<vmem>>, vector<16xf32>,
      %add3A_110 = arith.constant 112 : i32
      %add3A_111 = vector.broadcast %add3A_110 : i32 to vector<16xi32>
      %add3A_112 = arith.addi %iota3A, %add3A_111 : vector<16xi32>
      %eq3A_113 = vector.broadcast %select_n3A_15 : i32 to vector<16xi32>
      %eq3A_114 = arith.cmpi eq, %add3A_112, %eq3A_113 : vector<16xi32>
      %jit3A_115 = arith.constant 0.000000e+00 : f32
      %broadcast_in_dim3A_116 = vector.broadcast %squeeze3A_20 : f32 to vector<16xf32>
      %broadcast_in_dim3A_117 = vector.broadcast %jit3A_115 : f32 to vector<16xf32>
      %select_n3A_118 = arith.select %eq3A_114, %broadcast_in_dim3A_116, %broadcast_in_dim3A_117 : vector<16xi1>, vector<16xf32>
      %swap3A_119 = arith.constant 112 : index
      %swap3A_120 = tpu.vector_load %arg7[%swap3A_119] {strides = array<i32>} : memref<128xf32, #tpu.memory_space<vmem>>, vector<16xf32>,
      %swap3A_121 = vector.shape_cast %swap3A_120 : vector<16xf32> to vector<16xf32>
      %swap3A_122 = vector.shape_cast %select_n3A_118 : vector<16xf32> to vector<16xf32>
      tpu.vector_store %arg7[%swap3A_119], %swap3A_122 {strides = array<i32>} : memref<128xf32, #tpu.memory_space<vmem>>, vector<16xf32>,
      "tpu.region"() ({
        %run_scoped3A = tpu.sem_alloc : memref<!tpu.dma_semaphore, #tpu.memory_space<semaphore_mem>>
        tpu.enqueue_dma source(%arg7 : memref<128xf32, #tpu.memory_space<vmem>>) target(%arg4 : memref<128xf32, #tpu.memory_space<hbm>>) target_semaphore(%run_scoped3A : memref<!tpu.dma_semaphore, #tpu.memory_space<semaphore_mem>>)
        tpu.wait_dma2 semaphore(%run_scoped3A : memref<!tpu.dma_semaphore, #tpu.memory_space<semaphore_mem>>) src(%arg7 : memref<128xf32, #tpu.memory_space<vmem>>) dst(%arg4 : memref<128xf32, #tpu.memory_space<hbm>>)
        tpu.yield
      }) : () -> ()
    } else {
    }
    return
  }
}

module attributes {stable_mosaic.version = 14 : i64} {
  func.func @_commit_body(%arg0: memref<1xi32, #tpu.memory_space<smem>>, %arg1: memref<16777216xf32, #tpu.memory_space<any>>, %arg2: memref<128xf32, #tpu.memory_space<vmem>>, %arg3: memref<16777216xf32, #tpu.memory_space<any>>, %arg4: memref<!tpu.dma_semaphore, #tpu.memory_space<semaphore_mem>>) attributes {dimension_semantics = [], scalar_prefetch = 0 : i64, scratch_operands = 1 : i64, tpu.core_type = #tpu.core_type<tc>} {
    %get3A = arith.constant 0 : index
    %get3A_0 = memref.load %arg0[%get3A] : memref<1xi32, #tpu.memory_space<smem>>
    %jit3A = arith.constant 128 : i32
    %div3A = arith.divsi %get3A_0, %jit3A : i32
    %sign3A = arith.constant 0 : i32
    %sign3A_1 = arith.cmpi sgt, %get3A_0, %sign3A : i32
    %sign3A_2 = arith.extui %sign3A_1 : i1 to i32
    %sign3A_3 = arith.constant 0 : i32
    %sign3A_4 = arith.cmpi slt, %get3A_0, %sign3A_3 : i32
    %sign3A_5 = arith.extui %sign3A_4 : i1 to i32
    %sign3A_6 = arith.subi %sign3A_2, %sign3A_5 : i32
    %sign3A_7 = arith.constant 0 : i32
    %sign3A_8 = arith.cmpi sgt, %jit3A, %sign3A_7 : i32
    %sign3A_9 = arith.extui %sign3A_8 : i1 to i32
    %sign3A_10 = arith.constant 0 : i32
    %sign3A_11 = arith.cmpi slt, %jit3A, %sign3A_10 : i32
    %sign3A_12 = arith.extui %sign3A_11 : i1 to i32
    %sign3A_13 = arith.subi %sign3A_9, %sign3A_12 : i32
    %ne3A = arith.cmpi ne, %sign3A_6, %sign3A_13 : i32
    %rem3A = arith.remsi %get3A_0, %jit3A : i32
    %ne3A_14 = arith.constant 0 : i32
    %ne3A_15 = arith.cmpi ne, %rem3A, %ne3A_14 : i32
    %and3A = arith.andi %ne3A, %ne3A_15 : i1
    %sub3A = arith.constant 1 : i32
    %sub3A_16 = arith.subi %div3A, %sub3A : i32
    %select_n3A = arith.select %and3A, %sub3A_16, %div3A : i32
    %mul3A = arith.constant 128 : i32
    %mul3A_17 = arith.muli %select_n3A, %mul3A : i32
    %multiple_of3A = tpu.assume_multiple %mul3A_17, 128 : i32
    %dma_start3A = tpu.memref_slice %arg3[%multiple_of3A] : memref<16777216xf32, #tpu.memory_space<any>> -> memref<128xf32, #tpu.memory_space<any>>
    tpu.enqueue_dma source(%arg2 : memref<128xf32, #tpu.memory_space<vmem>>) target(%dma_start3A : memref<128xf32, #tpu.memory_space<any>>) target_semaphore(%arg4 : memref<!tpu.dma_semaphore, #tpu.memory_space<semaphore_mem>>)
    %dma_wait3A = tpu.memref_slice %arg3[%multiple_of3A] : memref<16777216xf32, #tpu.memory_space<any>> -> memref<128xf32, #tpu.memory_space<any>>
    tpu.wait_dma2 semaphore(%arg4 : memref<!tpu.dma_semaphore, #tpu.memory_space<semaphore_mem>>) src(%arg2 : memref<128xf32, #tpu.memory_space<vmem>>) dst(%dma_wait3A : memref<128xf32, #tpu.memory_space<any>>)
    return
  }
}

module attributes {stable_mosaic.version = 14 : i64} {
  func.func @_fill_body(%arg0: memref<16777216xf32, #tpu.memory_space<any>>, %arg1: memref<131072xf32, #tpu.memory_space<vmem>>, %arg2: memref<!tpu.dma_semaphore, #tpu.memory_space<semaphore_mem>>) attributes {dimension_semantics = [], scalar_prefetch = 0 : i64, scratch_operands = 2 : i64, tpu.core_type = #tpu.core_type<tc>} {
    %broadcast_in_dim3A = arith.constant 0.000000e+00 : f32
    %broadcast_in_dim3A_0 = vector.broadcast %broadcast_in_dim3A : f32 to vector<131072xf32>
    %swap3A = arith.constant 0 : index
    %swap3A_1 = vector.load %arg1[%swap3A] : memref<131072xf32, #tpu.memory_space<vmem>>, vector<131072xf32>
    tpu.vector_store %arg1[%swap3A], %broadcast_in_dim3A_0 {strides = array<i32>} : memref<131072xf32, #tpu.memory_space<vmem>>, vector<131072xf32>,
    %dma_start3A = arith.constant 0 : i32
    %dma_start3A_2 = tpu.memref_slice %arg0[%dma_start3A] : memref<16777216xf32, #tpu.memory_space<any>> -> memref<131072xf32, #tpu.memory_space<any>>
    tpu.enqueue_dma source(%arg1 : memref<131072xf32, #tpu.memory_space<vmem>>) target(%dma_start3A_2 : memref<131072xf32, #tpu.memory_space<any>>) target_semaphore(%arg2 : memref<!tpu.dma_semaphore, #tpu.memory_space<semaphore_mem>>)
    %dma_start3A_3 = arith.constant 131072 : i32
    %dma_start3A_4 = tpu.memref_slice %arg0[%dma_start3A_3] : memref<16777216xf32, #tpu.memory_space<any>> -> memref<131072xf32, #tpu.memory_space<any>>
    tpu.enqueue_dma source(%arg1 : memref<131072xf32, #tpu.memory_space<vmem>>) target(%dma_start3A_4 : memref<131072xf32, #tpu.memory_space<any>>) target_semaphore(%arg2 : memref<!tpu.dma_semaphore, #tpu.memory_space<semaphore_mem>>)
    %dma_start3A_5 = arith.constant 262144 : i32
    %dma_start3A_6 = tpu.memref_slice %arg0[%dma_start3A_5] : memref<16777216xf32, #tpu.memory_space<any>> -> memref<131072xf32, #tpu.memory_space<any>>
    tpu.enqueue_dma source(%arg1 : memref<131072xf32, #tpu.memory_space<vmem>>) target(%dma_start3A_6 : memref<131072xf32, #tpu.memory_space<any>>) target_semaphore(%arg2 : memref<!tpu.dma_semaphore, #tpu.memory_space<semaphore_mem>>)
    %dma_start3A_7 = arith.constant 393216 : i32
    %dma_start3A_8 = tpu.memref_slice %arg0[%dma_start3A_7] : memref<16777216xf32, #tpu.memory_space<any>> -> memref<131072xf32, #tpu.memory_space<any>>
    tpu.enqueue_dma source(%arg1 : memref<131072xf32, #tpu.memory_space<vmem>>) target(%dma_start3A_8 : memref<131072xf32, #tpu.memory_space<any>>) target_semaphore(%arg2 : memref<!tpu.dma_semaphore, #tpu.memory_space<semaphore_mem>>)
    %dma_start3A_9 = arith.constant 524288 : i32
    %dma_start3A_10 = tpu.memref_slice %arg0[%dma_start3A_9] : memref<16777216xf32, #tpu.memory_space<any>> -> memref<131072xf32, #tpu.memory_space<any>>
    tpu.enqueue_dma source(%arg1 : memref<131072xf32, #tpu.memory_space<vmem>>) target(%dma_start3A_10 : memref<131072xf32, #tpu.memory_space<any>>) target_semaphore(%arg2 : memref<!tpu.dma_semaphore, #tpu.memory_space<semaphore_mem>>)
    %dma_start3A_11 = arith.constant 655360 : i32
    %dma_start3A_12 = tpu.memref_slice %arg0[%dma_start3A_11] : memref<16777216xf32, #tpu.memory_space<any>> -> memref<131072xf32, #tpu.memory_space<any>>
    tpu.enqueue_dma source(%arg1 : memref<131072xf32, #tpu.memory_space<vmem>>) target(%dma_start3A_12 : memref<131072xf32, #tpu.memory_space<any>>) target_semaphore(%arg2 : memref<!tpu.dma_semaphore, #tpu.memory_space<semaphore_mem>>)
    %dma_start3A_13 = arith.constant 786432 : i32
    %dma_start3A_14 = tpu.memref_slice %arg0[%dma_start3A_13] : memref<16777216xf32, #tpu.memory_space<any>> -> memref<131072xf32, #tpu.memory_space<any>>
    tpu.enqueue_dma source(%arg1 : memref<131072xf32, #tpu.memory_space<vmem>>) target(%dma_start3A_14 : memref<131072xf32, #tpu.memory_space<any>>) target_semaphore(%arg2 : memref<!tpu.dma_semaphore, #tpu.memory_space<semaphore_mem>>)
    %dma_start3A_15 = arith.constant 917504 : i32
    %dma_start3A_16 = tpu.memref_slice %arg0[%dma_start3A_15] : memref<16777216xf32, #tpu.memory_space<any>> -> memref<131072xf32, #tpu.memory_space<any>>
    tpu.enqueue_dma source(%arg1 : memref<131072xf32, #tpu.memory_space<vmem>>) target(%dma_start3A_16 : memref<131072xf32, #tpu.memory_space<any>>) target_semaphore(%arg2 : memref<!tpu.dma_semaphore, #tpu.memory_space<semaphore_mem>>)
    %dma_start3A_17 = arith.constant 1048576 : i32
    %dma_start3A_18 = tpu.memref_slice %arg0[%dma_start3A_17] : memref<16777216xf32, #tpu.memory_space<any>> -> memref<131072xf32, #tpu.memory_space<any>>
    tpu.enqueue_dma source(%arg1 : memref<131072xf32, #tpu.memory_space<vmem>>) target(%dma_start3A_18 : memref<131072xf32, #tpu.memory_space<any>>) target_semaphore(%arg2 : memref<!tpu.dma_semaphore, #tpu.memory_space<semaphore_mem>>)
    %dma_start3A_19 = arith.constant 1179648 : i32
    %dma_start3A_20 = tpu.memref_slice %arg0[%dma_start3A_19] : memref<16777216xf32, #tpu.memory_space<any>> -> memref<131072xf32, #tpu.memory_space<any>>
    tpu.enqueue_dma source(%arg1 : memref<131072xf32, #tpu.memory_space<vmem>>) target(%dma_start3A_20 : memref<131072xf32, #tpu.memory_space<any>>) target_semaphore(%arg2 : memref<!tpu.dma_semaphore, #tpu.memory_space<semaphore_mem>>)
    %dma_start3A_21 = arith.constant 1310720 : i32
    %dma_start3A_22 = tpu.memref_slice %arg0[%dma_start3A_21] : memref<16777216xf32, #tpu.memory_space<any>> -> memref<131072xf32, #tpu.memory_space<any>>
    tpu.enqueue_dma source(%arg1 : memref<131072xf32, #tpu.memory_space<vmem>>) target(%dma_start3A_22 : memref<131072xf32, #tpu.memory_space<any>>) target_semaphore(%arg2 : memref<!tpu.dma_semaphore, #tpu.memory_space<semaphore_mem>>)
    %dma_start3A_23 = arith.constant 1441792 : i32
    %dma_start3A_24 = tpu.memref_slice %arg0[%dma_start3A_23] : memref<16777216xf32, #tpu.memory_space<any>> -> memref<131072xf32, #tpu.memory_space<any>>
    tpu.enqueue_dma source(%arg1 : memref<131072xf32, #tpu.memory_space<vmem>>) target(%dma_start3A_24 : memref<131072xf32, #tpu.memory_space<any>>) target_semaphore(%arg2 : memref<!tpu.dma_semaphore, #tpu.memory_space<semaphore_mem>>)
    %dma_start3A_25 = arith.constant 1572864 : i32
    %dma_start3A_26 = tpu.memref_slice %arg0[%dma_start3A_25] : memref<16777216xf32, #tpu.memory_space<any>> -> memref<131072xf32, #tpu.memory_space<any>>
    tpu.enqueue_dma source(%arg1 : memref<131072xf32, #tpu.memory_space<vmem>>) target(%dma_start3A_26 : memref<131072xf32, #tpu.memory_space<any>>) target_semaphore(%arg2 : memref<!tpu.dma_semaphore, #tpu.memory_space<semaphore_mem>>)
    %dma_start3A_27 = arith.constant 1703936 : i32
    %dma_start3A_28 = tpu.memref_slice %arg0[%dma_start3A_27] : memref<16777216xf32, #tpu.memory_space<any>> -> memref<131072xf32, #tpu.memory_space<any>>
    tpu.enqueue_dma source(%arg1 : memref<131072xf32, #tpu.memory_space<vmem>>) target(%dma_start3A_28 : memref<131072xf32, #tpu.memory_space<any>>) target_semaphore(%arg2 : memref<!tpu.dma_semaphore, #tpu.memory_space<semaphore_mem>>)
    %dma_start3A_29 = arith.constant 1835008 : i32
    %dma_start3A_30 = tpu.memref_slice %arg0[%dma_start3A_29] : memref<16777216xf32, #tpu.memory_space<any>> -> memref<131072xf32, #tpu.memory_space<any>>
    tpu.enqueue_dma source(%arg1 : memref<131072xf32, #tpu.memory_space<vmem>>) target(%dma_start3A_30 : memref<131072xf32, #tpu.memory_space<any>>) target_semaphore(%arg2 : memref<!tpu.dma_semaphore, #tpu.memory_space<semaphore_mem>>)
    %dma_start3A_31 = arith.constant 1966080 : i32
    %dma_start3A_32 = tpu.memref_slice %arg0[%dma_start3A_31] : memref<16777216xf32, #tpu.memory_space<any>> -> memref<131072xf32, #tpu.memory_space<any>>
    tpu.enqueue_dma source(%arg1 : memref<131072xf32, #tpu.memory_space<vmem>>) target(%dma_start3A_32 : memref<131072xf32, #tpu.memory_space<any>>) target_semaphore(%arg2 : memref<!tpu.dma_semaphore, #tpu.memory_space<semaphore_mem>>)
    %dma_start3A_33 = arith.constant 2097152 : i32
    %dma_start3A_34 = tpu.memref_slice %arg0[%dma_start3A_33] : memref<16777216xf32, #tpu.memory_space<any>> -> memref<131072xf32, #tpu.memory_space<any>>
    tpu.enqueue_dma source(%arg1 : memref<131072xf32, #tpu.memory_space<vmem>>) target(%dma_start3A_34 : memref<131072xf32, #tpu.memory_space<any>>) target_semaphore(%arg2 : memref<!tpu.dma_semaphore, #tpu.memory_space<semaphore_mem>>)
    %dma_start3A_35 = arith.constant 2228224 : i32
    %dma_start3A_36 = tpu.memref_slice %arg0[%dma_start3A_35] : memref<16777216xf32, #tpu.memory_space<any>> -> memref<131072xf32, #tpu.memory_space<any>>
    tpu.enqueue_dma source(%arg1 : memref<131072xf32, #tpu.memory_space<vmem>>) target(%dma_start3A_36 : memref<131072xf32, #tpu.memory_space<any>>) target_semaphore(%arg2 : memref<!tpu.dma_semaphore, #tpu.memory_space<semaphore_mem>>)
    %dma_start3A_37 = arith.constant 2359296 : i32
    %dma_start3A_38 = tpu.memref_slice %arg0[%dma_start3A_37] : memref<16777216xf32, #tpu.memory_space<any>> -> memref<131072xf32, #tpu.memory_space<any>>
    tpu.enqueue_dma source(%arg1 : memref<131072xf32, #tpu.memory_space<vmem>>) target(%dma_start3A_38 : memref<131072xf32, #tpu.memory_space<any>>) target_semaphore(%arg2 : memref<!tpu.dma_semaphore, #tpu.memory_space<semaphore_mem>>)
    %dma_start3A_39 = arith.constant 2490368 : i32
    %dma_start3A_40 = tpu.memref_slice %arg0[%dma_start3A_39] : memref<16777216xf32, #tpu.memory_space<any>> -> memref<131072xf32, #tpu.memory_space<any>>
    tpu.enqueue_dma source(%arg1 : memref<131072xf32, #tpu.memory_space<vmem>>) target(%dma_start3A_40 : memref<131072xf32, #tpu.memory_space<any>>) target_semaphore(%arg2 : memref<!tpu.dma_semaphore, #tpu.memory_space<semaphore_mem>>)
    %dma_start3A_41 = arith.constant 2621440 : i32
    %dma_start3A_42 = tpu.memref_slice %arg0[%dma_start3A_41] : memref<16777216xf32, #tpu.memory_space<any>> -> memref<131072xf32, #tpu.memory_space<any>>
    tpu.enqueue_dma source(%arg1 : memref<131072xf32, #tpu.memory_space<vmem>>) target(%dma_start3A_42 : memref<131072xf32, #tpu.memory_space<any>>) target_semaphore(%arg2 : memref<!tpu.dma_semaphore, #tpu.memory_space<semaphore_mem>>)
    %dma_start3A_43 = arith.constant 2752512 : i32
    %dma_start3A_44 = tpu.memref_slice %arg0[%dma_start3A_43] : memref<16777216xf32, #tpu.memory_space<any>> -> memref<131072xf32, #tpu.memory_space<any>>
    tpu.enqueue_dma source(%arg1 : memref<131072xf32, #tpu.memory_space<vmem>>) target(%dma_start3A_44 : memref<131072xf32, #tpu.memory_space<any>>) target_semaphore(%arg2 : memref<!tpu.dma_semaphore, #tpu.memory_space<semaphore_mem>>)
    %dma_start3A_45 = arith.constant 2883584 : i32
    %dma_start3A_46 = tpu.memref_slice %arg0[%dma_start3A_45] : memref<16777216xf32, #tpu.memory_space<any>> -> memref<131072xf32, #tpu.memory_space<any>>
    tpu.enqueue_dma source(%arg1 : memref<131072xf32, #tpu.memory_space<vmem>>) target(%dma_start3A_46 : memref<131072xf32, #tpu.memory_space<any>>) target_semaphore(%arg2 : memref<!tpu.dma_semaphore, #tpu.memory_space<semaphore_mem>>)
    %dma_start3A_47 = arith.constant 3014656 : i32
    %dma_start3A_48 = tpu.memref_slice %arg0[%dma_start3A_47] : memref<16777216xf32, #tpu.memory_space<any>> -> memref<131072xf32, #tpu.memory_space<any>>
    tpu.enqueue_dma source(%arg1 : memref<131072xf32, #tpu.memory_space<vmem>>) target(%dma_start3A_48 : memref<131072xf32, #tpu.memory_space<any>>) target_semaphore(%arg2 : memref<!tpu.dma_semaphore, #tpu.memory_space<semaphore_mem>>)
    %dma_start3A_49 = arith.constant 3145728 : i32
    %dma_start3A_50 = tpu.memref_slice %arg0[%dma_start3A_49] : memref<16777216xf32, #tpu.memory_space<any>> -> memref<131072xf32, #tpu.memory_space<any>>
    tpu.enqueue_dma source(%arg1 : memref<131072xf32, #tpu.memory_space<vmem>>) target(%dma_start3A_50 : memref<131072xf32, #tpu.memory_space<any>>) target_semaphore(%arg2 : memref<!tpu.dma_semaphore, #tpu.memory_space<semaphore_mem>>)
    %dma_start3A_51 = arith.constant 3276800 : i32
    %dma_start3A_52 = tpu.memref_slice %arg0[%dma_start3A_51] : memref<16777216xf32, #tpu.memory_space<any>> -> memref<131072xf32, #tpu.memory_space<any>>
    tpu.enqueue_dma source(%arg1 : memref<131072xf32, #tpu.memory_space<vmem>>) target(%dma_start3A_52 : memref<131072xf32, #tpu.memory_space<any>>) target_semaphore(%arg2 : memref<!tpu.dma_semaphore, #tpu.memory_space<semaphore_mem>>)
    %dma_start3A_53 = arith.constant 3407872 : i32
    %dma_start3A_54 = tpu.memref_slice %arg0[%dma_start3A_53] : memref<16777216xf32, #tpu.memory_space<any>> -> memref<131072xf32, #tpu.memory_space<any>>
    tpu.enqueue_dma source(%arg1 : memref<131072xf32, #tpu.memory_space<vmem>>) target(%dma_start3A_54 : memref<131072xf32, #tpu.memory_space<any>>) target_semaphore(%arg2 : memref<!tpu.dma_semaphore, #tpu.memory_space<semaphore_mem>>)
    %dma_start3A_55 = arith.constant 3538944 : i32
    %dma_start3A_56 = tpu.memref_slice %arg0[%dma_start3A_55] : memref<16777216xf32, #tpu.memory_space<any>> -> memref<131072xf32, #tpu.memory_space<any>>
    tpu.enqueue_dma source(%arg1 : memref<131072xf32, #tpu.memory_space<vmem>>) target(%dma_start3A_56 : memref<131072xf32, #tpu.memory_space<any>>) target_semaphore(%arg2 : memref<!tpu.dma_semaphore, #tpu.memory_space<semaphore_mem>>)
    %dma_start3A_57 = arith.constant 3670016 : i32
    %dma_start3A_58 = tpu.memref_slice %arg0[%dma_start3A_57] : memref<16777216xf32, #tpu.memory_space<any>> -> memref<131072xf32, #tpu.memory_space<any>>
    tpu.enqueue_dma source(%arg1 : memref<131072xf32, #tpu.memory_space<vmem>>) target(%dma_start3A_58 : memref<131072xf32, #tpu.memory_space<any>>) target_semaphore(%arg2 : memref<!tpu.dma_semaphore, #tpu.memory_space<semaphore_mem>>)
    %dma_start3A_59 = arith.constant 3801088 : i32
    %dma_start3A_60 = tpu.memref_slice %arg0[%dma_start3A_59] : memref<16777216xf32, #tpu.memory_space<any>> -> memref<131072xf32, #tpu.memory_space<any>>
    tpu.enqueue_dma source(%arg1 : memref<131072xf32, #tpu.memory_space<vmem>>) target(%dma_start3A_60 : memref<131072xf32, #tpu.memory_space<any>>) target_semaphore(%arg2 : memref<!tpu.dma_semaphore, #tpu.memory_space<semaphore_mem>>)
    %dma_start3A_61 = arith.constant 3932160 : i32
    %dma_start3A_62 = tpu.memref_slice %arg0[%dma_start3A_61] : memref<16777216xf32, #tpu.memory_space<any>> -> memref<131072xf32, #tpu.memory_space<any>>
    tpu.enqueue_dma source(%arg1 : memref<131072xf32, #tpu.memory_space<vmem>>) target(%dma_start3A_62 : memref<131072xf32, #tpu.memory_space<any>>) target_semaphore(%arg2 : memref<!tpu.dma_semaphore, #tpu.memory_space<semaphore_mem>>)
    %dma_start3A_63 = arith.constant 4063232 : i32
    %dma_start3A_64 = tpu.memref_slice %arg0[%dma_start3A_63] : memref<16777216xf32, #tpu.memory_space<any>> -> memref<131072xf32, #tpu.memory_space<any>>
    tpu.enqueue_dma source(%arg1 : memref<131072xf32, #tpu.memory_space<vmem>>) target(%dma_start3A_64 : memref<131072xf32, #tpu.memory_space<any>>) target_semaphore(%arg2 : memref<!tpu.dma_semaphore, #tpu.memory_space<semaphore_mem>>)
    %dma_start3A_65 = arith.constant 4194304 : i32
    %dma_start3A_66 = tpu.memref_slice %arg0[%dma_start3A_65] : memref<16777216xf32, #tpu.memory_space<any>> -> memref<131072xf32, #tpu.memory_space<any>>
    tpu.enqueue_dma source(%arg1 : memref<131072xf32, #tpu.memory_space<vmem>>) target(%dma_start3A_66 : memref<131072xf32, #tpu.memory_space<any>>) target_semaphore(%arg2 : memref<!tpu.dma_semaphore, #tpu.memory_space<semaphore_mem>>)
    %dma_start3A_67 = arith.constant 4325376 : i32
    %dma_start3A_68 = tpu.memref_slice %arg0[%dma_start3A_67] : memref<16777216xf32, #tpu.memory_space<any>> -> memref<131072xf32, #tpu.memory_space<any>>
    tpu.enqueue_dma source(%arg1 : memref<131072xf32, #tpu.memory_space<vmem>>) target(%dma_start3A_68 : memref<131072xf32, #tpu.memory_space<any>>) target_semaphore(%arg2 : memref<!tpu.dma_semaphore, #tpu.memory_space<semaphore_mem>>)
    %dma_start3A_69 = arith.constant 4456448 : i32
    %dma_start3A_70 = tpu.memref_slice %arg0[%dma_start3A_69] : memref<16777216xf32, #tpu.memory_space<any>> -> memref<131072xf32, #tpu.memory_space<any>>
    tpu.enqueue_dma source(%arg1 : memref<131072xf32, #tpu.memory_space<vmem>>) target(%dma_start3A_70 : memref<131072xf32, #tpu.memory_space<any>>) target_semaphore(%arg2 : memref<!tpu.dma_semaphore, #tpu.memory_space<semaphore_mem>>)
    %dma_start3A_71 = arith.constant 4587520 : i32
    %dma_start3A_72 = tpu.memref_slice %arg0[%dma_start3A_71] : memref<16777216xf32, #tpu.memory_space<any>> -> memref<131072xf32, #tpu.memory_space<any>>
    tpu.enqueue_dma source(%arg1 : memref<131072xf32, #tpu.memory_space<vmem>>) target(%dma_start3A_72 : memref<131072xf32, #tpu.memory_space<any>>) target_semaphore(%arg2 : memref<!tpu.dma_semaphore, #tpu.memory_space<semaphore_mem>>)
    %dma_start3A_73 = arith.constant 4718592 : i32
    %dma_start3A_74 = tpu.memref_slice %arg0[%dma_start3A_73] : memref<16777216xf32, #tpu.memory_space<any>> -> memref<131072xf32, #tpu.memory_space<any>>
    tpu.enqueue_dma source(%arg1 : memref<131072xf32, #tpu.memory_space<vmem>>) target(%dma_start3A_74 : memref<131072xf32, #tpu.memory_space<any>>) target_semaphore(%arg2 : memref<!tpu.dma_semaphore, #tpu.memory_space<semaphore_mem>>)
    %dma_start3A_75 = arith.constant 4849664 : i32
    %dma_start3A_76 = tpu.memref_slice %arg0[%dma_start3A_75] : memref<16777216xf32, #tpu.memory_space<any>> -> memref<131072xf32, #tpu.memory_space<any>>
    tpu.enqueue_dma source(%arg1 : memref<131072xf32, #tpu.memory_space<vmem>>) target(%dma_start3A_76 : memref<131072xf32, #tpu.memory_space<any>>) target_semaphore(%arg2 : memref<!tpu.dma_semaphore, #tpu.memory_space<semaphore_mem>>)
    %dma_start3A_77 = arith.constant 4980736 : i32
    %dma_start3A_78 = tpu.memref_slice %arg0[%dma_start3A_77] : memref<16777216xf32, #tpu.memory_space<any>> -> memref<131072xf32, #tpu.memory_space<any>>
    tpu.enqueue_dma source(%arg1 : memref<131072xf32, #tpu.memory_space<vmem>>) target(%dma_start3A_78 : memref<131072xf32, #tpu.memory_space<any>>) target_semaphore(%arg2 : memref<!tpu.dma_semaphore, #tpu.memory_space<semaphore_mem>>)
    %dma_start3A_79 = arith.constant 5111808 : i32
    %dma_start3A_80 = tpu.memref_slice %arg0[%dma_start3A_79] : memref<16777216xf32, #tpu.memory_space<any>> -> memref<131072xf32, #tpu.memory_space<any>>
    tpu.enqueue_dma source(%arg1 : memref<131072xf32, #tpu.memory_space<vmem>>) target(%dma_start3A_80 : memref<131072xf32, #tpu.memory_space<any>>) target_semaphore(%arg2 : memref<!tpu.dma_semaphore, #tpu.memory_space<semaphore_mem>>)
    %dma_start3A_81 = arith.constant 5242880 : i32
    %dma_start3A_82 = tpu.memref_slice %arg0[%dma_start3A_81] : memref<16777216xf32, #tpu.memory_space<any>> -> memref<131072xf32, #tpu.memory_space<any>>
    tpu.enqueue_dma source(%arg1 : memref<131072xf32, #tpu.memory_space<vmem>>) target(%dma_start3A_82 : memref<131072xf32, #tpu.memory_space<any>>) target_semaphore(%arg2 : memref<!tpu.dma_semaphore, #tpu.memory_space<semaphore_mem>>)
    %dma_start3A_83 = arith.constant 5373952 : i32
    %dma_start3A_84 = tpu.memref_slice %arg0[%dma_start3A_83] : memref<16777216xf32, #tpu.memory_space<any>> -> memref<131072xf32, #tpu.memory_space<any>>
    tpu.enqueue_dma source(%arg1 : memref<131072xf32, #tpu.memory_space<vmem>>) target(%dma_start3A_84 : memref<131072xf32, #tpu.memory_space<any>>) target_semaphore(%arg2 : memref<!tpu.dma_semaphore, #tpu.memory_space<semaphore_mem>>)
    %dma_start3A_85 = arith.constant 5505024 : i32
    %dma_start3A_86 = tpu.memref_slice %arg0[%dma_start3A_85] : memref<16777216xf32, #tpu.memory_space<any>> -> memref<131072xf32, #tpu.memory_space<any>>
    tpu.enqueue_dma source(%arg1 : memref<131072xf32, #tpu.memory_space<vmem>>) target(%dma_start3A_86 : memref<131072xf32, #tpu.memory_space<any>>) target_semaphore(%arg2 : memref<!tpu.dma_semaphore, #tpu.memory_space<semaphore_mem>>)
    %dma_start3A_87 = arith.constant 5636096 : i32
    %dma_start3A_88 = tpu.memref_slice %arg0[%dma_start3A_87] : memref<16777216xf32, #tpu.memory_space<any>> -> memref<131072xf32, #tpu.memory_space<any>>
    tpu.enqueue_dma source(%arg1 : memref<131072xf32, #tpu.memory_space<vmem>>) target(%dma_start3A_88 : memref<131072xf32, #tpu.memory_space<any>>) target_semaphore(%arg2 : memref<!tpu.dma_semaphore, #tpu.memory_space<semaphore_mem>>)
    %dma_start3A_89 = arith.constant 5767168 : i32
    %dma_start3A_90 = tpu.memref_slice %arg0[%dma_start3A_89] : memref<16777216xf32, #tpu.memory_space<any>> -> memref<131072xf32, #tpu.memory_space<any>>
    tpu.enqueue_dma source(%arg1 : memref<131072xf32, #tpu.memory_space<vmem>>) target(%dma_start3A_90 : memref<131072xf32, #tpu.memory_space<any>>) target_semaphore(%arg2 : memref<!tpu.dma_semaphore, #tpu.memory_space<semaphore_mem>>)
    %dma_start3A_91 = arith.constant 5898240 : i32
    %dma_start3A_92 = tpu.memref_slice %arg0[%dma_start3A_91] : memref<16777216xf32, #tpu.memory_space<any>> -> memref<131072xf32, #tpu.memory_space<any>>
    tpu.enqueue_dma source(%arg1 : memref<131072xf32, #tpu.memory_space<vmem>>) target(%dma_start3A_92 : memref<131072xf32, #tpu.memory_space<any>>) target_semaphore(%arg2 : memref<!tpu.dma_semaphore, #tpu.memory_space<semaphore_mem>>)
    %dma_start3A_93 = arith.constant 6029312 : i32
    %dma_start3A_94 = tpu.memref_slice %arg0[%dma_start3A_93] : memref<16777216xf32, #tpu.memory_space<any>> -> memref<131072xf32, #tpu.memory_space<any>>
    tpu.enqueue_dma source(%arg1 : memref<131072xf32, #tpu.memory_space<vmem>>) target(%dma_start3A_94 : memref<131072xf32, #tpu.memory_space<any>>) target_semaphore(%arg2 : memref<!tpu.dma_semaphore, #tpu.memory_space<semaphore_mem>>)
    %dma_start3A_95 = arith.constant 6160384 : i32
    %dma_start3A_96 = tpu.memref_slice %arg0[%dma_start3A_95] : memref<16777216xf32, #tpu.memory_space<any>> -> memref<131072xf32, #tpu.memory_space<any>>
    tpu.enqueue_dma source(%arg1 : memref<131072xf32, #tpu.memory_space<vmem>>) target(%dma_start3A_96 : memref<131072xf32, #tpu.memory_space<any>>) target_semaphore(%arg2 : memref<!tpu.dma_semaphore, #tpu.memory_space<semaphore_mem>>)
    %dma_start3A_97 = arith.constant 6291456 : i32
    %dma_start3A_98 = tpu.memref_slice %arg0[%dma_start3A_97] : memref<16777216xf32, #tpu.memory_space<any>> -> memref<131072xf32, #tpu.memory_space<any>>
    tpu.enqueue_dma source(%arg1 : memref<131072xf32, #tpu.memory_space<vmem>>) target(%dma_start3A_98 : memref<131072xf32, #tpu.memory_space<any>>) target_semaphore(%arg2 : memref<!tpu.dma_semaphore, #tpu.memory_space<semaphore_mem>>)
    %dma_start3A_99 = arith.constant 6422528 : i32
    %dma_start3A_100 = tpu.memref_slice %arg0[%dma_start3A_99] : memref<16777216xf32, #tpu.memory_space<any>> -> memref<131072xf32, #tpu.memory_space<any>>
    tpu.enqueue_dma source(%arg1 : memref<131072xf32, #tpu.memory_space<vmem>>) target(%dma_start3A_100 : memref<131072xf32, #tpu.memory_space<any>>) target_semaphore(%arg2 : memref<!tpu.dma_semaphore, #tpu.memory_space<semaphore_mem>>)
    %dma_start3A_101 = arith.constant 6553600 : i32
    %dma_start3A_102 = tpu.memref_slice %arg0[%dma_start3A_101] : memref<16777216xf32, #tpu.memory_space<any>> -> memref<131072xf32, #tpu.memory_space<any>>
    tpu.enqueue_dma source(%arg1 : memref<131072xf32, #tpu.memory_space<vmem>>) target(%dma_start3A_102 : memref<131072xf32, #tpu.memory_space<any>>) target_semaphore(%arg2 : memref<!tpu.dma_semaphore, #tpu.memory_space<semaphore_mem>>)
    %dma_start3A_103 = arith.constant 6684672 : i32
    %dma_start3A_104 = tpu.memref_slice %arg0[%dma_start3A_103] : memref<16777216xf32, #tpu.memory_space<any>> -> memref<131072xf32, #tpu.memory_space<any>>
    tpu.enqueue_dma source(%arg1 : memref<131072xf32, #tpu.memory_space<vmem>>) target(%dma_start3A_104 : memref<131072xf32, #tpu.memory_space<any>>) target_semaphore(%arg2 : memref<!tpu.dma_semaphore, #tpu.memory_space<semaphore_mem>>)
    %dma_start3A_105 = arith.constant 6815744 : i32
    %dma_start3A_106 = tpu.memref_slice %arg0[%dma_start3A_105] : memref<16777216xf32, #tpu.memory_space<any>> -> memref<131072xf32, #tpu.memory_space<any>>
    tpu.enqueue_dma source(%arg1 : memref<131072xf32, #tpu.memory_space<vmem>>) target(%dma_start3A_106 : memref<131072xf32, #tpu.memory_space<any>>) target_semaphore(%arg2 : memref<!tpu.dma_semaphore, #tpu.memory_space<semaphore_mem>>)
    %dma_start3A_107 = arith.constant 6946816 : i32
    %dma_start3A_108 = tpu.memref_slice %arg0[%dma_start3A_107] : memref<16777216xf32, #tpu.memory_space<any>> -> memref<131072xf32, #tpu.memory_space<any>>
    tpu.enqueue_dma source(%arg1 : memref<131072xf32, #tpu.memory_space<vmem>>) target(%dma_start3A_108 : memref<131072xf32, #tpu.memory_space<any>>) target_semaphore(%arg2 : memref<!tpu.dma_semaphore, #tpu.memory_space<semaphore_mem>>)
    %dma_start3A_109 = arith.constant 7077888 : i32
    %dma_start3A_110 = tpu.memref_slice %arg0[%dma_start3A_109] : memref<16777216xf32, #tpu.memory_space<any>> -> memref<131072xf32, #tpu.memory_space<any>>
    tpu.enqueue_dma source(%arg1 : memref<131072xf32, #tpu.memory_space<vmem>>) target(%dma_start3A_110 : memref<131072xf32, #tpu.memory_space<any>>) target_semaphore(%arg2 : memref<!tpu.dma_semaphore, #tpu.memory_space<semaphore_mem>>)
    %dma_start3A_111 = arith.constant 7208960 : i32
    %dma_start3A_112 = tpu.memref_slice %arg0[%dma_start3A_111] : memref<16777216xf32, #tpu.memory_space<any>> -> memref<131072xf32, #tpu.memory_space<any>>
    tpu.enqueue_dma source(%arg1 : memref<131072xf32, #tpu.memory_space<vmem>>) target(%dma_start3A_112 : memref<131072xf32, #tpu.memory_space<any>>) target_semaphore(%arg2 : memref<!tpu.dma_semaphore, #tpu.memory_space<semaphore_mem>>)
    %dma_start3A_113 = arith.constant 7340032 : i32
    %dma_start3A_114 = tpu.memref_slice %arg0[%dma_start3A_113] : memref<16777216xf32, #tpu.memory_space<any>> -> memref<131072xf32, #tpu.memory_space<any>>
    tpu.enqueue_dma source(%arg1 : memref<131072xf32, #tpu.memory_space<vmem>>) target(%dma_start3A_114 : memref<131072xf32, #tpu.memory_space<any>>) target_semaphore(%arg2 : memref<!tpu.dma_semaphore, #tpu.memory_space<semaphore_mem>>)
    %dma_start3A_115 = arith.constant 7471104 : i32
    %dma_start3A_116 = tpu.memref_slice %arg0[%dma_start3A_115] : memref<16777216xf32, #tpu.memory_space<any>> -> memref<131072xf32, #tpu.memory_space<any>>
    tpu.enqueue_dma source(%arg1 : memref<131072xf32, #tpu.memory_space<vmem>>) target(%dma_start3A_116 : memref<131072xf32, #tpu.memory_space<any>>) target_semaphore(%arg2 : memref<!tpu.dma_semaphore, #tpu.memory_space<semaphore_mem>>)
    %dma_start3A_117 = arith.constant 7602176 : i32
    %dma_start3A_118 = tpu.memref_slice %arg0[%dma_start3A_117] : memref<16777216xf32, #tpu.memory_space<any>> -> memref<131072xf32, #tpu.memory_space<any>>
    tpu.enqueue_dma source(%arg1 : memref<131072xf32, #tpu.memory_space<vmem>>) target(%dma_start3A_118 : memref<131072xf32, #tpu.memory_space<any>>) target_semaphore(%arg2 : memref<!tpu.dma_semaphore, #tpu.memory_space<semaphore_mem>>)
    %dma_start3A_119 = arith.constant 7733248 : i32
    %dma_start3A_120 = tpu.memref_slice %arg0[%dma_start3A_119] : memref<16777216xf32, #tpu.memory_space<any>> -> memref<131072xf32, #tpu.memory_space<any>>
    tpu.enqueue_dma source(%arg1 : memref<131072xf32, #tpu.memory_space<vmem>>) target(%dma_start3A_120 : memref<131072xf32, #tpu.memory_space<any>>) target_semaphore(%arg2 : memref<!tpu.dma_semaphore, #tpu.memory_space<semaphore_mem>>)
    %dma_start3A_121 = arith.constant 7864320 : i32
    %dma_start3A_122 = tpu.memref_slice %arg0[%dma_start3A_121] : memref<16777216xf32, #tpu.memory_space<any>> -> memref<131072xf32, #tpu.memory_space<any>>
    tpu.enqueue_dma source(%arg1 : memref<131072xf32, #tpu.memory_space<vmem>>) target(%dma_start3A_122 : memref<131072xf32, #tpu.memory_space<any>>) target_semaphore(%arg2 : memref<!tpu.dma_semaphore, #tpu.memory_space<semaphore_mem>>)
    %dma_start3A_123 = arith.constant 7995392 : i32
    %dma_start3A_124 = tpu.memref_slice %arg0[%dma_start3A_123] : memref<16777216xf32, #tpu.memory_space<any>> -> memref<131072xf32, #tpu.memory_space<any>>
    tpu.enqueue_dma source(%arg1 : memref<131072xf32, #tpu.memory_space<vmem>>) target(%dma_start3A_124 : memref<131072xf32, #tpu.memory_space<any>>) target_semaphore(%arg2 : memref<!tpu.dma_semaphore, #tpu.memory_space<semaphore_mem>>)
    %dma_start3A_125 = arith.constant 8126464 : i32
    %dma_start3A_126 = tpu.memref_slice %arg0[%dma_start3A_125] : memref<16777216xf32, #tpu.memory_space<any>> -> memref<131072xf32, #tpu.memory_space<any>>
    tpu.enqueue_dma source(%arg1 : memref<131072xf32, #tpu.memory_space<vmem>>) target(%dma_start3A_126 : memref<131072xf32, #tpu.memory_space<any>>) target_semaphore(%arg2 : memref<!tpu.dma_semaphore, #tpu.memory_space<semaphore_mem>>)
    %dma_start3A_127 = arith.constant 8257536 : i32
    %dma_start3A_128 = tpu.memref_slice %arg0[%dma_start3A_127] : memref<16777216xf32, #tpu.memory_space<any>> -> memref<131072xf32, #tpu.memory_space<any>>
    tpu.enqueue_dma source(%arg1 : memref<131072xf32, #tpu.memory_space<vmem>>) target(%dma_start3A_128 : memref<131072xf32, #tpu.memory_space<any>>) target_semaphore(%arg2 : memref<!tpu.dma_semaphore, #tpu.memory_space<semaphore_mem>>)
    %dma_start3A_129 = arith.constant 8388608 : i32
    %dma_start3A_130 = tpu.memref_slice %arg0[%dma_start3A_129] : memref<16777216xf32, #tpu.memory_space<any>> -> memref<131072xf32, #tpu.memory_space<any>>
    tpu.enqueue_dma source(%arg1 : memref<131072xf32, #tpu.memory_space<vmem>>) target(%dma_start3A_130 : memref<131072xf32, #tpu.memory_space<any>>) target_semaphore(%arg2 : memref<!tpu.dma_semaphore, #tpu.memory_space<semaphore_mem>>)
    %dma_start3A_131 = arith.constant 8519680 : i32
    %dma_start3A_132 = tpu.memref_slice %arg0[%dma_start3A_131] : memref<16777216xf32, #tpu.memory_space<any>> -> memref<131072xf32, #tpu.memory_space<any>>
    tpu.enqueue_dma source(%arg1 : memref<131072xf32, #tpu.memory_space<vmem>>) target(%dma_start3A_132 : memref<131072xf32, #tpu.memory_space<any>>) target_semaphore(%arg2 : memref<!tpu.dma_semaphore, #tpu.memory_space<semaphore_mem>>)
    %dma_start3A_133 = arith.constant 8650752 : i32
    %dma_start3A_134 = tpu.memref_slice %arg0[%dma_start3A_133] : memref<16777216xf32, #tpu.memory_space<any>> -> memref<131072xf32, #tpu.memory_space<any>>
    tpu.enqueue_dma source(%arg1 : memref<131072xf32, #tpu.memory_space<vmem>>) target(%dma_start3A_134 : memref<131072xf32, #tpu.memory_space<any>>) target_semaphore(%arg2 : memref<!tpu.dma_semaphore, #tpu.memory_space<semaphore_mem>>)
    %dma_start3A_135 = arith.constant 8781824 : i32
    %dma_start3A_136 = tpu.memref_slice %arg0[%dma_start3A_135] : memref<16777216xf32, #tpu.memory_space<any>> -> memref<131072xf32, #tpu.memory_space<any>>
    tpu.enqueue_dma source(%arg1 : memref<131072xf32, #tpu.memory_space<vmem>>) target(%dma_start3A_136 : memref<131072xf32, #tpu.memory_space<any>>) target_semaphore(%arg2 : memref<!tpu.dma_semaphore, #tpu.memory_space<semaphore_mem>>)
    %dma_start3A_137 = arith.constant 8912896 : i32
    %dma_start3A_138 = tpu.memref_slice %arg0[%dma_start3A_137] : memref<16777216xf32, #tpu.memory_space<any>> -> memref<131072xf32, #tpu.memory_space<any>>
    tpu.enqueue_dma source(%arg1 : memref<131072xf32, #tpu.memory_space<vmem>>) target(%dma_start3A_138 : memref<131072xf32, #tpu.memory_space<any>>) target_semaphore(%arg2 : memref<!tpu.dma_semaphore, #tpu.memory_space<semaphore_mem>>)
    %dma_start3A_139 = arith.constant 9043968 : i32
    %dma_start3A_140 = tpu.memref_slice %arg0[%dma_start3A_139] : memref<16777216xf32, #tpu.memory_space<any>> -> memref<131072xf32, #tpu.memory_space<any>>
    tpu.enqueue_dma source(%arg1 : memref<131072xf32, #tpu.memory_space<vmem>>) target(%dma_start3A_140 : memref<131072xf32, #tpu.memory_space<any>>) target_semaphore(%arg2 : memref<!tpu.dma_semaphore, #tpu.memory_space<semaphore_mem>>)
    %dma_start3A_141 = arith.constant 9175040 : i32
    %dma_start3A_142 = tpu.memref_slice %arg0[%dma_start3A_141] : memref<16777216xf32, #tpu.memory_space<any>> -> memref<131072xf32, #tpu.memory_space<any>>
    tpu.enqueue_dma source(%arg1 : memref<131072xf32, #tpu.memory_space<vmem>>) target(%dma_start3A_142 : memref<131072xf32, #tpu.memory_space<any>>) target_semaphore(%arg2 : memref<!tpu.dma_semaphore, #tpu.memory_space<semaphore_mem>>)
    %dma_start3A_143 = arith.constant 9306112 : i32
    %dma_start3A_144 = tpu.memref_slice %arg0[%dma_start3A_143] : memref<16777216xf32, #tpu.memory_space<any>> -> memref<131072xf32, #tpu.memory_space<any>>
    tpu.enqueue_dma source(%arg1 : memref<131072xf32, #tpu.memory_space<vmem>>) target(%dma_start3A_144 : memref<131072xf32, #tpu.memory_space<any>>) target_semaphore(%arg2 : memref<!tpu.dma_semaphore, #tpu.memory_space<semaphore_mem>>)
    %dma_start3A_145 = arith.constant 9437184 : i32
    %dma_start3A_146 = tpu.memref_slice %arg0[%dma_start3A_145] : memref<16777216xf32, #tpu.memory_space<any>> -> memref<131072xf32, #tpu.memory_space<any>>
    tpu.enqueue_dma source(%arg1 : memref<131072xf32, #tpu.memory_space<vmem>>) target(%dma_start3A_146 : memref<131072xf32, #tpu.memory_space<any>>) target_semaphore(%arg2 : memref<!tpu.dma_semaphore, #tpu.memory_space<semaphore_mem>>)
    %dma_start3A_147 = arith.constant 9568256 : i32
    %dma_start3A_148 = tpu.memref_slice %arg0[%dma_start3A_147] : memref<16777216xf32, #tpu.memory_space<any>> -> memref<131072xf32, #tpu.memory_space<any>>
    tpu.enqueue_dma source(%arg1 : memref<131072xf32, #tpu.memory_space<vmem>>) target(%dma_start3A_148 : memref<131072xf32, #tpu.memory_space<any>>) target_semaphore(%arg2 : memref<!tpu.dma_semaphore, #tpu.memory_space<semaphore_mem>>)
    %dma_start3A_149 = arith.constant 9699328 : i32
    %dma_start3A_150 = tpu.memref_slice %arg0[%dma_start3A_149] : memref<16777216xf32, #tpu.memory_space<any>> -> memref<131072xf32, #tpu.memory_space<any>>
    tpu.enqueue_dma source(%arg1 : memref<131072xf32, #tpu.memory_space<vmem>>) target(%dma_start3A_150 : memref<131072xf32, #tpu.memory_space<any>>) target_semaphore(%arg2 : memref<!tpu.dma_semaphore, #tpu.memory_space<semaphore_mem>>)
    %dma_start3A_151 = arith.constant 9830400 : i32
    %dma_start3A_152 = tpu.memref_slice %arg0[%dma_start3A_151] : memref<16777216xf32, #tpu.memory_space<any>> -> memref<131072xf32, #tpu.memory_space<any>>
    tpu.enqueue_dma source(%arg1 : memref<131072xf32, #tpu.memory_space<vmem>>) target(%dma_start3A_152 : memref<131072xf32, #tpu.memory_space<any>>) target_semaphore(%arg2 : memref<!tpu.dma_semaphore, #tpu.memory_space<semaphore_mem>>)
    %dma_start3A_153 = arith.constant 9961472 : i32
    %dma_start3A_154 = tpu.memref_slice %arg0[%dma_start3A_153] : memref<16777216xf32, #tpu.memory_space<any>> -> memref<131072xf32, #tpu.memory_space<any>>
    tpu.enqueue_dma source(%arg1 : memref<131072xf32, #tpu.memory_space<vmem>>) target(%dma_start3A_154 : memref<131072xf32, #tpu.memory_space<any>>) target_semaphore(%arg2 : memref<!tpu.dma_semaphore, #tpu.memory_space<semaphore_mem>>)
    %dma_start3A_155 = arith.constant 10092544 : i32
    %dma_start3A_156 = tpu.memref_slice %arg0[%dma_start3A_155] : memref<16777216xf32, #tpu.memory_space<any>> -> memref<131072xf32, #tpu.memory_space<any>>
    tpu.enqueue_dma source(%arg1 : memref<131072xf32, #tpu.memory_space<vmem>>) target(%dma_start3A_156 : memref<131072xf32, #tpu.memory_space<any>>) target_semaphore(%arg2 : memref<!tpu.dma_semaphore, #tpu.memory_space<semaphore_mem>>)
    %dma_start3A_157 = arith.constant 10223616 : i32
    %dma_start3A_158 = tpu.memref_slice %arg0[%dma_start3A_157] : memref<16777216xf32, #tpu.memory_space<any>> -> memref<131072xf32, #tpu.memory_space<any>>
    tpu.enqueue_dma source(%arg1 : memref<131072xf32, #tpu.memory_space<vmem>>) target(%dma_start3A_158 : memref<131072xf32, #tpu.memory_space<any>>) target_semaphore(%arg2 : memref<!tpu.dma_semaphore, #tpu.memory_space<semaphore_mem>>)
    %dma_start3A_159 = arith.constant 10354688 : i32
    %dma_start3A_160 = tpu.memref_slice %arg0[%dma_start3A_159] : memref<16777216xf32, #tpu.memory_space<any>> -> memref<131072xf32, #tpu.memory_space<any>>
    tpu.enqueue_dma source(%arg1 : memref<131072xf32, #tpu.memory_space<vmem>>) target(%dma_start3A_160 : memref<131072xf32, #tpu.memory_space<any>>) target_semaphore(%arg2 : memref<!tpu.dma_semaphore, #tpu.memory_space<semaphore_mem>>)
    %dma_start3A_161 = arith.constant 10485760 : i32
    %dma_start3A_162 = tpu.memref_slice %arg0[%dma_start3A_161] : memref<16777216xf32, #tpu.memory_space<any>> -> memref<131072xf32, #tpu.memory_space<any>>
    tpu.enqueue_dma source(%arg1 : memref<131072xf32, #tpu.memory_space<vmem>>) target(%dma_start3A_162 : memref<131072xf32, #tpu.memory_space<any>>) target_semaphore(%arg2 : memref<!tpu.dma_semaphore, #tpu.memory_space<semaphore_mem>>)
    %dma_start3A_163 = arith.constant 10616832 : i32
    %dma_start3A_164 = tpu.memref_slice %arg0[%dma_start3A_163] : memref<16777216xf32, #tpu.memory_space<any>> -> memref<131072xf32, #tpu.memory_space<any>>
    tpu.enqueue_dma source(%arg1 : memref<131072xf32, #tpu.memory_space<vmem>>) target(%dma_start3A_164 : memref<131072xf32, #tpu.memory_space<any>>) target_semaphore(%arg2 : memref<!tpu.dma_semaphore, #tpu.memory_space<semaphore_mem>>)
    %dma_start3A_165 = arith.constant 10747904 : i32
    %dma_start3A_166 = tpu.memref_slice %arg0[%dma_start3A_165] : memref<16777216xf32, #tpu.memory_space<any>> -> memref<131072xf32, #tpu.memory_space<any>>
    tpu.enqueue_dma source(%arg1 : memref<131072xf32, #tpu.memory_space<vmem>>) target(%dma_start3A_166 : memref<131072xf32, #tpu.memory_space<any>>) target_semaphore(%arg2 : memref<!tpu.dma_semaphore, #tpu.memory_space<semaphore_mem>>)
    %dma_start3A_167 = arith.constant 10878976 : i32
    %dma_start3A_168 = tpu.memref_slice %arg0[%dma_start3A_167] : memref<16777216xf32, #tpu.memory_space<any>> -> memref<131072xf32, #tpu.memory_space<any>>
    tpu.enqueue_dma source(%arg1 : memref<131072xf32, #tpu.memory_space<vmem>>) target(%dma_start3A_168 : memref<131072xf32, #tpu.memory_space<any>>) target_semaphore(%arg2 : memref<!tpu.dma_semaphore, #tpu.memory_space<semaphore_mem>>)
    %dma_start3A_169 = arith.constant 11010048 : i32
    %dma_start3A_170 = tpu.memref_slice %arg0[%dma_start3A_169] : memref<16777216xf32, #tpu.memory_space<any>> -> memref<131072xf32, #tpu.memory_space<any>>
    tpu.enqueue_dma source(%arg1 : memref<131072xf32, #tpu.memory_space<vmem>>) target(%dma_start3A_170 : memref<131072xf32, #tpu.memory_space<any>>) target_semaphore(%arg2 : memref<!tpu.dma_semaphore, #tpu.memory_space<semaphore_mem>>)
    %dma_start3A_171 = arith.constant 11141120 : i32
    %dma_start3A_172 = tpu.memref_slice %arg0[%dma_start3A_171] : memref<16777216xf32, #tpu.memory_space<any>> -> memref<131072xf32, #tpu.memory_space<any>>
    tpu.enqueue_dma source(%arg1 : memref<131072xf32, #tpu.memory_space<vmem>>) target(%dma_start3A_172 : memref<131072xf32, #tpu.memory_space<any>>) target_semaphore(%arg2 : memref<!tpu.dma_semaphore, #tpu.memory_space<semaphore_mem>>)
    %dma_start3A_173 = arith.constant 11272192 : i32
    %dma_start3A_174 = tpu.memref_slice %arg0[%dma_start3A_173] : memref<16777216xf32, #tpu.memory_space<any>> -> memref<131072xf32, #tpu.memory_space<any>>
    tpu.enqueue_dma source(%arg1 : memref<131072xf32, #tpu.memory_space<vmem>>) target(%dma_start3A_174 : memref<131072xf32, #tpu.memory_space<any>>) target_semaphore(%arg2 : memref<!tpu.dma_semaphore, #tpu.memory_space<semaphore_mem>>)
    %dma_start3A_175 = arith.constant 11403264 : i32
    %dma_start3A_176 = tpu.memref_slice %arg0[%dma_start3A_175] : memref<16777216xf32, #tpu.memory_space<any>> -> memref<131072xf32, #tpu.memory_space<any>>
    tpu.enqueue_dma source(%arg1 : memref<131072xf32, #tpu.memory_space<vmem>>) target(%dma_start3A_176 : memref<131072xf32, #tpu.memory_space<any>>) target_semaphore(%arg2 : memref<!tpu.dma_semaphore, #tpu.memory_space<semaphore_mem>>)
    %dma_start3A_177 = arith.constant 11534336 : i32
    %dma_start3A_178 = tpu.memref_slice %arg0[%dma_start3A_177] : memref<16777216xf32, #tpu.memory_space<any>> -> memref<131072xf32, #tpu.memory_space<any>>
    tpu.enqueue_dma source(%arg1 : memref<131072xf32, #tpu.memory_space<vmem>>) target(%dma_start3A_178 : memref<131072xf32, #tpu.memory_space<any>>) target_semaphore(%arg2 : memref<!tpu.dma_semaphore, #tpu.memory_space<semaphore_mem>>)
    %dma_start3A_179 = arith.constant 11665408 : i32
    %dma_start3A_180 = tpu.memref_slice %arg0[%dma_start3A_179] : memref<16777216xf32, #tpu.memory_space<any>> -> memref<131072xf32, #tpu.memory_space<any>>
    tpu.enqueue_dma source(%arg1 : memref<131072xf32, #tpu.memory_space<vmem>>) target(%dma_start3A_180 : memref<131072xf32, #tpu.memory_space<any>>) target_semaphore(%arg2 : memref<!tpu.dma_semaphore, #tpu.memory_space<semaphore_mem>>)
    %dma_start3A_181 = arith.constant 11796480 : i32
    %dma_start3A_182 = tpu.memref_slice %arg0[%dma_start3A_181] : memref<16777216xf32, #tpu.memory_space<any>> -> memref<131072xf32, #tpu.memory_space<any>>
    tpu.enqueue_dma source(%arg1 : memref<131072xf32, #tpu.memory_space<vmem>>) target(%dma_start3A_182 : memref<131072xf32, #tpu.memory_space<any>>) target_semaphore(%arg2 : memref<!tpu.dma_semaphore, #tpu.memory_space<semaphore_mem>>)
    %dma_start3A_183 = arith.constant 11927552 : i32
    %dma_start3A_184 = tpu.memref_slice %arg0[%dma_start3A_183] : memref<16777216xf32, #tpu.memory_space<any>> -> memref<131072xf32, #tpu.memory_space<any>>
    tpu.enqueue_dma source(%arg1 : memref<131072xf32, #tpu.memory_space<vmem>>) target(%dma_start3A_184 : memref<131072xf32, #tpu.memory_space<any>>) target_semaphore(%arg2 : memref<!tpu.dma_semaphore, #tpu.memory_space<semaphore_mem>>)
    %dma_start3A_185 = arith.constant 12058624 : i32
    %dma_start3A_186 = tpu.memref_slice %arg0[%dma_start3A_185] : memref<16777216xf32, #tpu.memory_space<any>> -> memref<131072xf32, #tpu.memory_space<any>>
    tpu.enqueue_dma source(%arg1 : memref<131072xf32, #tpu.memory_space<vmem>>) target(%dma_start3A_186 : memref<131072xf32, #tpu.memory_space<any>>) target_semaphore(%arg2 : memref<!tpu.dma_semaphore, #tpu.memory_space<semaphore_mem>>)
    %dma_start3A_187 = arith.constant 12189696 : i32
    %dma_start3A_188 = tpu.memref_slice %arg0[%dma_start3A_187] : memref<16777216xf32, #tpu.memory_space<any>> -> memref<131072xf32, #tpu.memory_space<any>>
    tpu.enqueue_dma source(%arg1 : memref<131072xf32, #tpu.memory_space<vmem>>) target(%dma_start3A_188 : memref<131072xf32, #tpu.memory_space<any>>) target_semaphore(%arg2 : memref<!tpu.dma_semaphore, #tpu.memory_space<semaphore_mem>>)
    %dma_start3A_189 = arith.constant 12320768 : i32
    %dma_start3A_190 = tpu.memref_slice %arg0[%dma_start3A_189] : memref<16777216xf32, #tpu.memory_space<any>> -> memref<131072xf32, #tpu.memory_space<any>>
    tpu.enqueue_dma source(%arg1 : memref<131072xf32, #tpu.memory_space<vmem>>) target(%dma_start3A_190 : memref<131072xf32, #tpu.memory_space<any>>) target_semaphore(%arg2 : memref<!tpu.dma_semaphore, #tpu.memory_space<semaphore_mem>>)
    %dma_start3A_191 = arith.constant 12451840 : i32
    %dma_start3A_192 = tpu.memref_slice %arg0[%dma_start3A_191] : memref<16777216xf32, #tpu.memory_space<any>> -> memref<131072xf32, #tpu.memory_space<any>>
    tpu.enqueue_dma source(%arg1 : memref<131072xf32, #tpu.memory_space<vmem>>) target(%dma_start3A_192 : memref<131072xf32, #tpu.memory_space<any>>) target_semaphore(%arg2 : memref<!tpu.dma_semaphore, #tpu.memory_space<semaphore_mem>>)
    %dma_start3A_193 = arith.constant 12582912 : i32
    %dma_start3A_194 = tpu.memref_slice %arg0[%dma_start3A_193] : memref<16777216xf32, #tpu.memory_space<any>> -> memref<131072xf32, #tpu.memory_space<any>>
    tpu.enqueue_dma source(%arg1 : memref<131072xf32, #tpu.memory_space<vmem>>) target(%dma_start3A_194 : memref<131072xf32, #tpu.memory_space<any>>) target_semaphore(%arg2 : memref<!tpu.dma_semaphore, #tpu.memory_space<semaphore_mem>>)
    %dma_start3A_195 = arith.constant 12713984 : i32
    %dma_start3A_196 = tpu.memref_slice %arg0[%dma_start3A_195] : memref<16777216xf32, #tpu.memory_space<any>> -> memref<131072xf32, #tpu.memory_space<any>>
    tpu.enqueue_dma source(%arg1 : memref<131072xf32, #tpu.memory_space<vmem>>) target(%dma_start3A_196 : memref<131072xf32, #tpu.memory_space<any>>) target_semaphore(%arg2 : memref<!tpu.dma_semaphore, #tpu.memory_space<semaphore_mem>>)
    %dma_start3A_197 = arith.constant 12845056 : i32
    %dma_start3A_198 = tpu.memref_slice %arg0[%dma_start3A_197] : memref<16777216xf32, #tpu.memory_space<any>> -> memref<131072xf32, #tpu.memory_space<any>>
    tpu.enqueue_dma source(%arg1 : memref<131072xf32, #tpu.memory_space<vmem>>) target(%dma_start3A_198 : memref<131072xf32, #tpu.memory_space<any>>) target_semaphore(%arg2 : memref<!tpu.dma_semaphore, #tpu.memory_space<semaphore_mem>>)
    %dma_start3A_199 = arith.constant 12976128 : i32
    %dma_start3A_200 = tpu.memref_slice %arg0[%dma_start3A_199] : memref<16777216xf32, #tpu.memory_space<any>> -> memref<131072xf32, #tpu.memory_space<any>>
    tpu.enqueue_dma source(%arg1 : memref<131072xf32, #tpu.memory_space<vmem>>) target(%dma_start3A_200 : memref<131072xf32, #tpu.memory_space<any>>) target_semaphore(%arg2 : memref<!tpu.dma_semaphore, #tpu.memory_space<semaphore_mem>>)
    %dma_start3A_201 = arith.constant 13107200 : i32
    %dma_start3A_202 = tpu.memref_slice %arg0[%dma_start3A_201] : memref<16777216xf32, #tpu.memory_space<any>> -> memref<131072xf32, #tpu.memory_space<any>>
    tpu.enqueue_dma source(%arg1 : memref<131072xf32, #tpu.memory_space<vmem>>) target(%dma_start3A_202 : memref<131072xf32, #tpu.memory_space<any>>) target_semaphore(%arg2 : memref<!tpu.dma_semaphore, #tpu.memory_space<semaphore_mem>>)
    %dma_start3A_203 = arith.constant 13238272 : i32
    %dma_start3A_204 = tpu.memref_slice %arg0[%dma_start3A_203] : memref<16777216xf32, #tpu.memory_space<any>> -> memref<131072xf32, #tpu.memory_space<any>>
    tpu.enqueue_dma source(%arg1 : memref<131072xf32, #tpu.memory_space<vmem>>) target(%dma_start3A_204 : memref<131072xf32, #tpu.memory_space<any>>) target_semaphore(%arg2 : memref<!tpu.dma_semaphore, #tpu.memory_space<semaphore_mem>>)
    %dma_start3A_205 = arith.constant 13369344 : i32
    %dma_start3A_206 = tpu.memref_slice %arg0[%dma_start3A_205] : memref<16777216xf32, #tpu.memory_space<any>> -> memref<131072xf32, #tpu.memory_space<any>>
    tpu.enqueue_dma source(%arg1 : memref<131072xf32, #tpu.memory_space<vmem>>) target(%dma_start3A_206 : memref<131072xf32, #tpu.memory_space<any>>) target_semaphore(%arg2 : memref<!tpu.dma_semaphore, #tpu.memory_space<semaphore_mem>>)
    %dma_start3A_207 = arith.constant 13500416 : i32
    %dma_start3A_208 = tpu.memref_slice %arg0[%dma_start3A_207] : memref<16777216xf32, #tpu.memory_space<any>> -> memref<131072xf32, #tpu.memory_space<any>>
    tpu.enqueue_dma source(%arg1 : memref<131072xf32, #tpu.memory_space<vmem>>) target(%dma_start3A_208 : memref<131072xf32, #tpu.memory_space<any>>) target_semaphore(%arg2 : memref<!tpu.dma_semaphore, #tpu.memory_space<semaphore_mem>>)
    %dma_start3A_209 = arith.constant 13631488 : i32
    %dma_start3A_210 = tpu.memref_slice %arg0[%dma_start3A_209] : memref<16777216xf32, #tpu.memory_space<any>> -> memref<131072xf32, #tpu.memory_space<any>>
    tpu.enqueue_dma source(%arg1 : memref<131072xf32, #tpu.memory_space<vmem>>) target(%dma_start3A_210 : memref<131072xf32, #tpu.memory_space<any>>) target_semaphore(%arg2 : memref<!tpu.dma_semaphore, #tpu.memory_space<semaphore_mem>>)
    %dma_start3A_211 = arith.constant 13762560 : i32
    %dma_start3A_212 = tpu.memref_slice %arg0[%dma_start3A_211] : memref<16777216xf32, #tpu.memory_space<any>> -> memref<131072xf32, #tpu.memory_space<any>>
    tpu.enqueue_dma source(%arg1 : memref<131072xf32, #tpu.memory_space<vmem>>) target(%dma_start3A_212 : memref<131072xf32, #tpu.memory_space<any>>) target_semaphore(%arg2 : memref<!tpu.dma_semaphore, #tpu.memory_space<semaphore_mem>>)
    %dma_start3A_213 = arith.constant 13893632 : i32
    %dma_start3A_214 = tpu.memref_slice %arg0[%dma_start3A_213] : memref<16777216xf32, #tpu.memory_space<any>> -> memref<131072xf32, #tpu.memory_space<any>>
    tpu.enqueue_dma source(%arg1 : memref<131072xf32, #tpu.memory_space<vmem>>) target(%dma_start3A_214 : memref<131072xf32, #tpu.memory_space<any>>) target_semaphore(%arg2 : memref<!tpu.dma_semaphore, #tpu.memory_space<semaphore_mem>>)
    %dma_start3A_215 = arith.constant 14024704 : i32
    %dma_start3A_216 = tpu.memref_slice %arg0[%dma_start3A_215] : memref<16777216xf32, #tpu.memory_space<any>> -> memref<131072xf32, #tpu.memory_space<any>>
    tpu.enqueue_dma source(%arg1 : memref<131072xf32, #tpu.memory_space<vmem>>) target(%dma_start3A_216 : memref<131072xf32, #tpu.memory_space<any>>) target_semaphore(%arg2 : memref<!tpu.dma_semaphore, #tpu.memory_space<semaphore_mem>>)
    %dma_start3A_217 = arith.constant 14155776 : i32
    %dma_start3A_218 = tpu.memref_slice %arg0[%dma_start3A_217] : memref<16777216xf32, #tpu.memory_space<any>> -> memref<131072xf32, #tpu.memory_space<any>>
    tpu.enqueue_dma source(%arg1 : memref<131072xf32, #tpu.memory_space<vmem>>) target(%dma_start3A_218 : memref<131072xf32, #tpu.memory_space<any>>) target_semaphore(%arg2 : memref<!tpu.dma_semaphore, #tpu.memory_space<semaphore_mem>>)
    %dma_start3A_219 = arith.constant 14286848 : i32
    %dma_start3A_220 = tpu.memref_slice %arg0[%dma_start3A_219] : memref<16777216xf32, #tpu.memory_space<any>> -> memref<131072xf32, #tpu.memory_space<any>>
    tpu.enqueue_dma source(%arg1 : memref<131072xf32, #tpu.memory_space<vmem>>) target(%dma_start3A_220 : memref<131072xf32, #tpu.memory_space<any>>) target_semaphore(%arg2 : memref<!tpu.dma_semaphore, #tpu.memory_space<semaphore_mem>>)
    %dma_start3A_221 = arith.constant 14417920 : i32
    %dma_start3A_222 = tpu.memref_slice %arg0[%dma_start3A_221] : memref<16777216xf32, #tpu.memory_space<any>> -> memref<131072xf32, #tpu.memory_space<any>>
    tpu.enqueue_dma source(%arg1 : memref<131072xf32, #tpu.memory_space<vmem>>) target(%dma_start3A_222 : memref<131072xf32, #tpu.memory_space<any>>) target_semaphore(%arg2 : memref<!tpu.dma_semaphore, #tpu.memory_space<semaphore_mem>>)
    %dma_start3A_223 = arith.constant 14548992 : i32
    %dma_start3A_224 = tpu.memref_slice %arg0[%dma_start3A_223] : memref<16777216xf32, #tpu.memory_space<any>> -> memref<131072xf32, #tpu.memory_space<any>>
    tpu.enqueue_dma source(%arg1 : memref<131072xf32, #tpu.memory_space<vmem>>) target(%dma_start3A_224 : memref<131072xf32, #tpu.memory_space<any>>) target_semaphore(%arg2 : memref<!tpu.dma_semaphore, #tpu.memory_space<semaphore_mem>>)
    %dma_start3A_225 = arith.constant 14680064 : i32
    %dma_start3A_226 = tpu.memref_slice %arg0[%dma_start3A_225] : memref<16777216xf32, #tpu.memory_space<any>> -> memref<131072xf32, #tpu.memory_space<any>>
    tpu.enqueue_dma source(%arg1 : memref<131072xf32, #tpu.memory_space<vmem>>) target(%dma_start3A_226 : memref<131072xf32, #tpu.memory_space<any>>) target_semaphore(%arg2 : memref<!tpu.dma_semaphore, #tpu.memory_space<semaphore_mem>>)
    %dma_start3A_227 = arith.constant 14811136 : i32
    %dma_start3A_228 = tpu.memref_slice %arg0[%dma_start3A_227] : memref<16777216xf32, #tpu.memory_space<any>> -> memref<131072xf32, #tpu.memory_space<any>>
    tpu.enqueue_dma source(%arg1 : memref<131072xf32, #tpu.memory_space<vmem>>) target(%dma_start3A_228 : memref<131072xf32, #tpu.memory_space<any>>) target_semaphore(%arg2 : memref<!tpu.dma_semaphore, #tpu.memory_space<semaphore_mem>>)
    %dma_start3A_229 = arith.constant 14942208 : i32
    %dma_start3A_230 = tpu.memref_slice %arg0[%dma_start3A_229] : memref<16777216xf32, #tpu.memory_space<any>> -> memref<131072xf32, #tpu.memory_space<any>>
    tpu.enqueue_dma source(%arg1 : memref<131072xf32, #tpu.memory_space<vmem>>) target(%dma_start3A_230 : memref<131072xf32, #tpu.memory_space<any>>) target_semaphore(%arg2 : memref<!tpu.dma_semaphore, #tpu.memory_space<semaphore_mem>>)
    %dma_start3A_231 = arith.constant 15073280 : i32
    %dma_start3A_232 = tpu.memref_slice %arg0[%dma_start3A_231] : memref<16777216xf32, #tpu.memory_space<any>> -> memref<131072xf32, #tpu.memory_space<any>>
    tpu.enqueue_dma source(%arg1 : memref<131072xf32, #tpu.memory_space<vmem>>) target(%dma_start3A_232 : memref<131072xf32, #tpu.memory_space<any>>) target_semaphore(%arg2 : memref<!tpu.dma_semaphore, #tpu.memory_space<semaphore_mem>>)
    %dma_start3A_233 = arith.constant 15204352 : i32
    %dma_start3A_234 = tpu.memref_slice %arg0[%dma_start3A_233] : memref<16777216xf32, #tpu.memory_space<any>> -> memref<131072xf32, #tpu.memory_space<any>>
    tpu.enqueue_dma source(%arg1 : memref<131072xf32, #tpu.memory_space<vmem>>) target(%dma_start3A_234 : memref<131072xf32, #tpu.memory_space<any>>) target_semaphore(%arg2 : memref<!tpu.dma_semaphore, #tpu.memory_space<semaphore_mem>>)
    %dma_start3A_235 = arith.constant 15335424 : i32
    %dma_start3A_236 = tpu.memref_slice %arg0[%dma_start3A_235] : memref<16777216xf32, #tpu.memory_space<any>> -> memref<131072xf32, #tpu.memory_space<any>>
    tpu.enqueue_dma source(%arg1 : memref<131072xf32, #tpu.memory_space<vmem>>) target(%dma_start3A_236 : memref<131072xf32, #tpu.memory_space<any>>) target_semaphore(%arg2 : memref<!tpu.dma_semaphore, #tpu.memory_space<semaphore_mem>>)
    %dma_start3A_237 = arith.constant 15466496 : i32
    %dma_start3A_238 = tpu.memref_slice %arg0[%dma_start3A_237] : memref<16777216xf32, #tpu.memory_space<any>> -> memref<131072xf32, #tpu.memory_space<any>>
    tpu.enqueue_dma source(%arg1 : memref<131072xf32, #tpu.memory_space<vmem>>) target(%dma_start3A_238 : memref<131072xf32, #tpu.memory_space<any>>) target_semaphore(%arg2 : memref<!tpu.dma_semaphore, #tpu.memory_space<semaphore_mem>>)
    %dma_start3A_239 = arith.constant 15597568 : i32
    %dma_start3A_240 = tpu.memref_slice %arg0[%dma_start3A_239] : memref<16777216xf32, #tpu.memory_space<any>> -> memref<131072xf32, #tpu.memory_space<any>>
    tpu.enqueue_dma source(%arg1 : memref<131072xf32, #tpu.memory_space<vmem>>) target(%dma_start3A_240 : memref<131072xf32, #tpu.memory_space<any>>) target_semaphore(%arg2 : memref<!tpu.dma_semaphore, #tpu.memory_space<semaphore_mem>>)
    %dma_start3A_241 = arith.constant 15728640 : i32
    %dma_start3A_242 = tpu.memref_slice %arg0[%dma_start3A_241] : memref<16777216xf32, #tpu.memory_space<any>> -> memref<131072xf32, #tpu.memory_space<any>>
    tpu.enqueue_dma source(%arg1 : memref<131072xf32, #tpu.memory_space<vmem>>) target(%dma_start3A_242 : memref<131072xf32, #tpu.memory_space<any>>) target_semaphore(%arg2 : memref<!tpu.dma_semaphore, #tpu.memory_space<semaphore_mem>>)
    %dma_start3A_243 = arith.constant 15859712 : i32
    %dma_start3A_244 = tpu.memref_slice %arg0[%dma_start3A_243] : memref<16777216xf32, #tpu.memory_space<any>> -> memref<131072xf32, #tpu.memory_space<any>>
    tpu.enqueue_dma source(%arg1 : memref<131072xf32, #tpu.memory_space<vmem>>) target(%dma_start3A_244 : memref<131072xf32, #tpu.memory_space<any>>) target_semaphore(%arg2 : memref<!tpu.dma_semaphore, #tpu.memory_space<semaphore_mem>>)
    %dma_start3A_245 = arith.constant 15990784 : i32
    %dma_start3A_246 = tpu.memref_slice %arg0[%dma_start3A_245] : memref<16777216xf32, #tpu.memory_space<any>> -> memref<131072xf32, #tpu.memory_space<any>>
    tpu.enqueue_dma source(%arg1 : memref<131072xf32, #tpu.memory_space<vmem>>) target(%dma_start3A_246 : memref<131072xf32, #tpu.memory_space<any>>) target_semaphore(%arg2 : memref<!tpu.dma_semaphore, #tpu.memory_space<semaphore_mem>>)
    %dma_start3A_247 = arith.constant 16121856 : i32
    %dma_start3A_248 = tpu.memref_slice %arg0[%dma_start3A_247] : memref<16777216xf32, #tpu.memory_space<any>> -> memref<131072xf32, #tpu.memory_space<any>>
    tpu.enqueue_dma source(%arg1 : memref<131072xf32, #tpu.memory_space<vmem>>) target(%dma_start3A_248 : memref<131072xf32, #tpu.memory_space<any>>) target_semaphore(%arg2 : memref<!tpu.dma_semaphore, #tpu.memory_space<semaphore_mem>>)
    %dma_start3A_249 = arith.constant 16252928 : i32
    %dma_start3A_250 = tpu.memref_slice %arg0[%dma_start3A_249] : memref<16777216xf32, #tpu.memory_space<any>> -> memref<131072xf32, #tpu.memory_space<any>>
    tpu.enqueue_dma source(%arg1 : memref<131072xf32, #tpu.memory_space<vmem>>) target(%dma_start3A_250 : memref<131072xf32, #tpu.memory_space<any>>) target_semaphore(%arg2 : memref<!tpu.dma_semaphore, #tpu.memory_space<semaphore_mem>>)
    %dma_start3A_251 = arith.constant 16384000 : i32
    %dma_start3A_252 = tpu.memref_slice %arg0[%dma_start3A_251] : memref<16777216xf32, #tpu.memory_space<any>> -> memref<131072xf32, #tpu.memory_space<any>>
    tpu.enqueue_dma source(%arg1 : memref<131072xf32, #tpu.memory_space<vmem>>) target(%dma_start3A_252 : memref<131072xf32, #tpu.memory_space<any>>) target_semaphore(%arg2 : memref<!tpu.dma_semaphore, #tpu.memory_space<semaphore_mem>>)
    %dma_start3A_253 = arith.constant 16515072 : i32
    %dma_start3A_254 = tpu.memref_slice %arg0[%dma_start3A_253] : memref<16777216xf32, #tpu.memory_space<any>> -> memref<131072xf32, #tpu.memory_space<any>>
    tpu.enqueue_dma source(%arg1 : memref<131072xf32, #tpu.memory_space<vmem>>) target(%dma_start3A_254 : memref<131072xf32, #tpu.memory_space<any>>) target_semaphore(%arg2 : memref<!tpu.dma_semaphore, #tpu.memory_space<semaphore_mem>>)
    %dma_start3A_255 = arith.constant 16646144 : i32
    %dma_start3A_256 = tpu.memref_slice %arg0[%dma_start3A_255] : memref<16777216xf32, #tpu.memory_space<any>> -> memref<131072xf32, #tpu.memory_space<any>>
    tpu.enqueue_dma source(%arg1 : memref<131072xf32, #tpu.memory_space<vmem>>) target(%dma_start3A_256 : memref<131072xf32, #tpu.memory_space<any>>) target_semaphore(%arg2 : memref<!tpu.dma_semaphore, #tpu.memory_space<semaphore_mem>>)
    %dma_wait3A = arith.constant 0 : i32
    %dma_wait3A_257 = tpu.memref_slice %arg0[%dma_wait3A] : memref<16777216xf32, #tpu.memory_space<any>> -> memref<131072xf32, #tpu.memory_space<any>>
    tpu.wait_dma2 semaphore(%arg2 : memref<!tpu.dma_semaphore, #tpu.memory_space<semaphore_mem>>) src(%arg1 : memref<131072xf32, #tpu.memory_space<vmem>>) dst(%dma_wait3A_257 : memref<131072xf32, #tpu.memory_space<any>>)
    %dma_wait3A_258 = arith.constant 131072 : i32
    %dma_wait3A_259 = tpu.memref_slice %arg0[%dma_wait3A_258] : memref<16777216xf32, #tpu.memory_space<any>> -> memref<131072xf32, #tpu.memory_space<any>>
    tpu.wait_dma2 semaphore(%arg2 : memref<!tpu.dma_semaphore, #tpu.memory_space<semaphore_mem>>) src(%arg1 : memref<131072xf32, #tpu.memory_space<vmem>>) dst(%dma_wait3A_259 : memref<131072xf32, #tpu.memory_space<any>>)
    %dma_wait3A_260 = arith.constant 262144 : i32
    %dma_wait3A_261 = tpu.memref_slice %arg0[%dma_wait3A_260] : memref<16777216xf32, #tpu.memory_space<any>> -> memref<131072xf32, #tpu.memory_space<any>>
    tpu.wait_dma2 semaphore(%arg2 : memref<!tpu.dma_semaphore, #tpu.memory_space<semaphore_mem>>) src(%arg1 : memref<131072xf32, #tpu.memory_space<vmem>>) dst(%dma_wait3A_261 : memref<131072xf32, #tpu.memory_space<any>>)
    %dma_wait3A_262 = arith.constant 393216 : i32
    %dma_wait3A_263 = tpu.memref_slice %arg0[%dma_wait3A_262] : memref<16777216xf32, #tpu.memory_space<any>> -> memref<131072xf32, #tpu.memory_space<any>>
    tpu.wait_dma2 semaphore(%arg2 : memref<!tpu.dma_semaphore, #tpu.memory_space<semaphore_mem>>) src(%arg1 : memref<131072xf32, #tpu.memory_space<vmem>>) dst(%dma_wait3A_263 : memref<131072xf32, #tpu.memory_space<any>>)
    %dma_wait3A_264 = arith.constant 524288 : i32
    %dma_wait3A_265 = tpu.memref_slice %arg0[%dma_wait3A_264] : memref<16777216xf32, #tpu.memory_space<any>> -> memref<131072xf32, #tpu.memory_space<any>>
    tpu.wait_dma2 semaphore(%arg2 : memref<!tpu.dma_semaphore, #tpu.memory_space<semaphore_mem>>) src(%arg1 : memref<131072xf32, #tpu.memory_space<vmem>>) dst(%dma_wait3A_265 : memref<131072xf32, #tpu.memory_space<any>>)
    %dma_wait3A_266 = arith.constant 655360 : i32
    %dma_wait3A_267 = tpu.memref_slice %arg0[%dma_wait3A_266] : memref<16777216xf32, #tpu.memory_space<any>> -> memref<131072xf32, #tpu.memory_space<any>>
    tpu.wait_dma2 semaphore(%arg2 : memref<!tpu.dma_semaphore, #tpu.memory_space<semaphore_mem>>) src(%arg1 : memref<131072xf32, #tpu.memory_space<vmem>>) dst(%dma_wait3A_267 : memref<131072xf32, #tpu.memory_space<any>>)
    %dma_wait3A_268 = arith.constant 786432 : i32
    %dma_wait3A_269 = tpu.memref_slice %arg0[%dma_wait3A_268] : memref<16777216xf32, #tpu.memory_space<any>> -> memref<131072xf32, #tpu.memory_space<any>>
    tpu.wait_dma2 semaphore(%arg2 : memref<!tpu.dma_semaphore, #tpu.memory_space<semaphore_mem>>) src(%arg1 : memref<131072xf32, #tpu.memory_space<vmem>>) dst(%dma_wait3A_269 : memref<131072xf32, #tpu.memory_space<any>>)
    %dma_wait3A_270 = arith.constant 917504 : i32
    %dma_wait3A_271 = tpu.memref_slice %arg0[%dma_wait3A_270] : memref<16777216xf32, #tpu.memory_space<any>> -> memref<131072xf32, #tpu.memory_space<any>>
    tpu.wait_dma2 semaphore(%arg2 : memref<!tpu.dma_semaphore, #tpu.memory_space<semaphore_mem>>) src(%arg1 : memref<131072xf32, #tpu.memory_space<vmem>>) dst(%dma_wait3A_271 : memref<131072xf32, #tpu.memory_space<any>>)
    %dma_wait3A_272 = arith.constant 1048576 : i32
    %dma_wait3A_273 = tpu.memref_slice %arg0[%dma_wait3A_272] : memref<16777216xf32, #tpu.memory_space<any>> -> memref<131072xf32, #tpu.memory_space<any>>
    tpu.wait_dma2 semaphore(%arg2 : memref<!tpu.dma_semaphore, #tpu.memory_space<semaphore_mem>>) src(%arg1 : memref<131072xf32, #tpu.memory_space<vmem>>) dst(%dma_wait3A_273 : memref<131072xf32, #tpu.memory_space<any>>)
    %dma_wait3A_274 = arith.constant 1179648 : i32
    %dma_wait3A_275 = tpu.memref_slice %arg0[%dma_wait3A_274] : memref<16777216xf32, #tpu.memory_space<any>> -> memref<131072xf32, #tpu.memory_space<any>>
    tpu.wait_dma2 semaphore(%arg2 : memref<!tpu.dma_semaphore, #tpu.memory_space<semaphore_mem>>) src(%arg1 : memref<131072xf32, #tpu.memory_space<vmem>>) dst(%dma_wait3A_275 : memref<131072xf32, #tpu.memory_space<any>>)
    %dma_wait3A_276 = arith.constant 1310720 : i32
    %dma_wait3A_277 = tpu.memref_slice %arg0[%dma_wait3A_276] : memref<16777216xf32, #tpu.memory_space<any>> -> memref<131072xf32, #tpu.memory_space<any>>
    tpu.wait_dma2 semaphore(%arg2 : memref<!tpu.dma_semaphore, #tpu.memory_space<semaphore_mem>>) src(%arg1 : memref<131072xf32, #tpu.memory_space<vmem>>) dst(%dma_wait3A_277 : memref<131072xf32, #tpu.memory_space<any>>)
    %dma_wait3A_278 = arith.constant 1441792 : i32
    %dma_wait3A_279 = tpu.memref_slice %arg0[%dma_wait3A_278] : memref<16777216xf32, #tpu.memory_space<any>> -> memref<131072xf32, #tpu.memory_space<any>>
    tpu.wait_dma2 semaphore(%arg2 : memref<!tpu.dma_semaphore, #tpu.memory_space<semaphore_mem>>) src(%arg1 : memref<131072xf32, #tpu.memory_space<vmem>>) dst(%dma_wait3A_279 : memref<131072xf32, #tpu.memory_space<any>>)
    %dma_wait3A_280 = arith.constant 1572864 : i32
    %dma_wait3A_281 = tpu.memref_slice %arg0[%dma_wait3A_280] : memref<16777216xf32, #tpu.memory_space<any>> -> memref<131072xf32, #tpu.memory_space<any>>
    tpu.wait_dma2 semaphore(%arg2 : memref<!tpu.dma_semaphore, #tpu.memory_space<semaphore_mem>>) src(%arg1 : memref<131072xf32, #tpu.memory_space<vmem>>) dst(%dma_wait3A_281 : memref<131072xf32, #tpu.memory_space<any>>)
    %dma_wait3A_282 = arith.constant 1703936 : i32
    %dma_wait3A_283 = tpu.memref_slice %arg0[%dma_wait3A_282] : memref<16777216xf32, #tpu.memory_space<any>> -> memref<131072xf32, #tpu.memory_space<any>>
    tpu.wait_dma2 semaphore(%arg2 : memref<!tpu.dma_semaphore, #tpu.memory_space<semaphore_mem>>) src(%arg1 : memref<131072xf32, #tpu.memory_space<vmem>>) dst(%dma_wait3A_283 : memref<131072xf32, #tpu.memory_space<any>>)
    %dma_wait3A_284 = arith.constant 1835008 : i32
    %dma_wait3A_285 = tpu.memref_slice %arg0[%dma_wait3A_284] : memref<16777216xf32, #tpu.memory_space<any>> -> memref<131072xf32, #tpu.memory_space<any>>
    tpu.wait_dma2 semaphore(%arg2 : memref<!tpu.dma_semaphore, #tpu.memory_space<semaphore_mem>>) src(%arg1 : memref<131072xf32, #tpu.memory_space<vmem>>) dst(%dma_wait3A_285 : memref<131072xf32, #tpu.memory_space<any>>)
    %dma_wait3A_286 = arith.constant 1966080 : i32
    %dma_wait3A_287 = tpu.memref_slice %arg0[%dma_wait3A_286] : memref<16777216xf32, #tpu.memory_space<any>> -> memref<131072xf32, #tpu.memory_space<any>>
    tpu.wait_dma2 semaphore(%arg2 : memref<!tpu.dma_semaphore, #tpu.memory_space<semaphore_mem>>) src(%arg1 : memref<131072xf32, #tpu.memory_space<vmem>>) dst(%dma_wait3A_287 : memref<131072xf32, #tpu.memory_space<any>>)
    %dma_wait3A_288 = arith.constant 2097152 : i32
    %dma_wait3A_289 = tpu.memref_slice %arg0[%dma_wait3A_288] : memref<16777216xf32, #tpu.memory_space<any>> -> memref<131072xf32, #tpu.memory_space<any>>
    tpu.wait_dma2 semaphore(%arg2 : memref<!tpu.dma_semaphore, #tpu.memory_space<semaphore_mem>>) src(%arg1 : memref<131072xf32, #tpu.memory_space<vmem>>) dst(%dma_wait3A_289 : memref<131072xf32, #tpu.memory_space<any>>)
    %dma_wait3A_290 = arith.constant 2228224 : i32
    %dma_wait3A_291 = tpu.memref_slice %arg0[%dma_wait3A_290] : memref<16777216xf32, #tpu.memory_space<any>> -> memref<131072xf32, #tpu.memory_space<any>>
    tpu.wait_dma2 semaphore(%arg2 : memref<!tpu.dma_semaphore, #tpu.memory_space<semaphore_mem>>) src(%arg1 : memref<131072xf32, #tpu.memory_space<vmem>>) dst(%dma_wait3A_291 : memref<131072xf32, #tpu.memory_space<any>>)
    %dma_wait3A_292 = arith.constant 2359296 : i32
    %dma_wait3A_293 = tpu.memref_slice %arg0[%dma_wait3A_292] : memref<16777216xf32, #tpu.memory_space<any>> -> memref<131072xf32, #tpu.memory_space<any>>
    tpu.wait_dma2 semaphore(%arg2 : memref<!tpu.dma_semaphore, #tpu.memory_space<semaphore_mem>>) src(%arg1 : memref<131072xf32, #tpu.memory_space<vmem>>) dst(%dma_wait3A_293 : memref<131072xf32, #tpu.memory_space<any>>)
    %dma_wait3A_294 = arith.constant 2490368 : i32
    %dma_wait3A_295 = tpu.memref_slice %arg0[%dma_wait3A_294] : memref<16777216xf32, #tpu.memory_space<any>> -> memref<131072xf32, #tpu.memory_space<any>>
    tpu.wait_dma2 semaphore(%arg2 : memref<!tpu.dma_semaphore, #tpu.memory_space<semaphore_mem>>) src(%arg1 : memref<131072xf32, #tpu.memory_space<vmem>>) dst(%dma_wait3A_295 : memref<131072xf32, #tpu.memory_space<any>>)
    %dma_wait3A_296 = arith.constant 2621440 : i32
    %dma_wait3A_297 = tpu.memref_slice %arg0[%dma_wait3A_296] : memref<16777216xf32, #tpu.memory_space<any>> -> memref<131072xf32, #tpu.memory_space<any>>
    tpu.wait_dma2 semaphore(%arg2 : memref<!tpu.dma_semaphore, #tpu.memory_space<semaphore_mem>>) src(%arg1 : memref<131072xf32, #tpu.memory_space<vmem>>) dst(%dma_wait3A_297 : memref<131072xf32, #tpu.memory_space<any>>)
    %dma_wait3A_298 = arith.constant 2752512 : i32
    %dma_wait3A_299 = tpu.memref_slice %arg0[%dma_wait3A_298] : memref<16777216xf32, #tpu.memory_space<any>> -> memref<131072xf32, #tpu.memory_space<any>>
    tpu.wait_dma2 semaphore(%arg2 : memref<!tpu.dma_semaphore, #tpu.memory_space<semaphore_mem>>) src(%arg1 : memref<131072xf32, #tpu.memory_space<vmem>>) dst(%dma_wait3A_299 : memref<131072xf32, #tpu.memory_space<any>>)
    %dma_wait3A_300 = arith.constant 2883584 : i32
    %dma_wait3A_301 = tpu.memref_slice %arg0[%dma_wait3A_300] : memref<16777216xf32, #tpu.memory_space<any>> -> memref<131072xf32, #tpu.memory_space<any>>
    tpu.wait_dma2 semaphore(%arg2 : memref<!tpu.dma_semaphore, #tpu.memory_space<semaphore_mem>>) src(%arg1 : memref<131072xf32, #tpu.memory_space<vmem>>) dst(%dma_wait3A_301 : memref<131072xf32, #tpu.memory_space<any>>)
    %dma_wait3A_302 = arith.constant 3014656 : i32
    %dma_wait3A_303 = tpu.memref_slice %arg0[%dma_wait3A_302] : memref<16777216xf32, #tpu.memory_space<any>> -> memref<131072xf32, #tpu.memory_space<any>>
    tpu.wait_dma2 semaphore(%arg2 : memref<!tpu.dma_semaphore, #tpu.memory_space<semaphore_mem>>) src(%arg1 : memref<131072xf32, #tpu.memory_space<vmem>>) dst(%dma_wait3A_303 : memref<131072xf32, #tpu.memory_space<any>>)
    %dma_wait3A_304 = arith.constant 3145728 : i32
    %dma_wait3A_305 = tpu.memref_slice %arg0[%dma_wait3A_304] : memref<16777216xf32, #tpu.memory_space<any>> -> memref<131072xf32, #tpu.memory_space<any>>
    tpu.wait_dma2 semaphore(%arg2 : memref<!tpu.dma_semaphore, #tpu.memory_space<semaphore_mem>>) src(%arg1 : memref<131072xf32, #tpu.memory_space<vmem>>) dst(%dma_wait3A_305 : memref<131072xf32, #tpu.memory_space<any>>)
    %dma_wait3A_306 = arith.constant 3276800 : i32
    %dma_wait3A_307 = tpu.memref_slice %arg0[%dma_wait3A_306] : memref<16777216xf32, #tpu.memory_space<any>> -> memref<131072xf32, #tpu.memory_space<any>>
    tpu.wait_dma2 semaphore(%arg2 : memref<!tpu.dma_semaphore, #tpu.memory_space<semaphore_mem>>) src(%arg1 : memref<131072xf32, #tpu.memory_space<vmem>>) dst(%dma_wait3A_307 : memref<131072xf32, #tpu.memory_space<any>>)
    %dma_wait3A_308 = arith.constant 3407872 : i32
    %dma_wait3A_309 = tpu.memref_slice %arg0[%dma_wait3A_308] : memref<16777216xf32, #tpu.memory_space<any>> -> memref<131072xf32, #tpu.memory_space<any>>
    tpu.wait_dma2 semaphore(%arg2 : memref<!tpu.dma_semaphore, #tpu.memory_space<semaphore_mem>>) src(%arg1 : memref<131072xf32, #tpu.memory_space<vmem>>) dst(%dma_wait3A_309 : memref<131072xf32, #tpu.memory_space<any>>)
    %dma_wait3A_310 = arith.constant 3538944 : i32
    %dma_wait3A_311 = tpu.memref_slice %arg0[%dma_wait3A_310] : memref<16777216xf32, #tpu.memory_space<any>> -> memref<131072xf32, #tpu.memory_space<any>>
    tpu.wait_dma2 semaphore(%arg2 : memref<!tpu.dma_semaphore, #tpu.memory_space<semaphore_mem>>) src(%arg1 : memref<131072xf32, #tpu.memory_space<vmem>>) dst(%dma_wait3A_311 : memref<131072xf32, #tpu.memory_space<any>>)
    %dma_wait3A_312 = arith.constant 3670016 : i32
    %dma_wait3A_313 = tpu.memref_slice %arg0[%dma_wait3A_312] : memref<16777216xf32, #tpu.memory_space<any>> -> memref<131072xf32, #tpu.memory_space<any>>
    tpu.wait_dma2 semaphore(%arg2 : memref<!tpu.dma_semaphore, #tpu.memory_space<semaphore_mem>>) src(%arg1 : memref<131072xf32, #tpu.memory_space<vmem>>) dst(%dma_wait3A_313 : memref<131072xf32, #tpu.memory_space<any>>)
    %dma_wait3A_314 = arith.constant 3801088 : i32
    %dma_wait3A_315 = tpu.memref_slice %arg0[%dma_wait3A_314] : memref<16777216xf32, #tpu.memory_space<any>> -> memref<131072xf32, #tpu.memory_space<any>>
    tpu.wait_dma2 semaphore(%arg2 : memref<!tpu.dma_semaphore, #tpu.memory_space<semaphore_mem>>) src(%arg1 : memref<131072xf32, #tpu.memory_space<vmem>>) dst(%dma_wait3A_315 : memref<131072xf32, #tpu.memory_space<any>>)
    %dma_wait3A_316 = arith.constant 3932160 : i32
    %dma_wait3A_317 = tpu.memref_slice %arg0[%dma_wait3A_316] : memref<16777216xf32, #tpu.memory_space<any>> -> memref<131072xf32, #tpu.memory_space<any>>
    tpu.wait_dma2 semaphore(%arg2 : memref<!tpu.dma_semaphore, #tpu.memory_space<semaphore_mem>>) src(%arg1 : memref<131072xf32, #tpu.memory_space<vmem>>) dst(%dma_wait3A_317 : memref<131072xf32, #tpu.memory_space<any>>)
    %dma_wait3A_318 = arith.constant 4063232 : i32
    %dma_wait3A_319 = tpu.memref_slice %arg0[%dma_wait3A_318] : memref<16777216xf32, #tpu.memory_space<any>> -> memref<131072xf32, #tpu.memory_space<any>>
    tpu.wait_dma2 semaphore(%arg2 : memref<!tpu.dma_semaphore, #tpu.memory_space<semaphore_mem>>) src(%arg1 : memref<131072xf32, #tpu.memory_space<vmem>>) dst(%dma_wait3A_319 : memref<131072xf32, #tpu.memory_space<any>>)
    %dma_wait3A_320 = arith.constant 4194304 : i32
    %dma_wait3A_321 = tpu.memref_slice %arg0[%dma_wait3A_320] : memref<16777216xf32, #tpu.memory_space<any>> -> memref<131072xf32, #tpu.memory_space<any>>
    tpu.wait_dma2 semaphore(%arg2 : memref<!tpu.dma_semaphore, #tpu.memory_space<semaphore_mem>>) src(%arg1 : memref<131072xf32, #tpu.memory_space<vmem>>) dst(%dma_wait3A_321 : memref<131072xf32, #tpu.memory_space<any>>)
    %dma_wait3A_322 = arith.constant 4325376 : i32
    %dma_wait3A_323 = tpu.memref_slice %arg0[%dma_wait3A_322] : memref<16777216xf32, #tpu.memory_space<any>> -> memref<131072xf32, #tpu.memory_space<any>>
    tpu.wait_dma2 semaphore(%arg2 : memref<!tpu.dma_semaphore, #tpu.memory_space<semaphore_mem>>) src(%arg1 : memref<131072xf32, #tpu.memory_space<vmem>>) dst(%dma_wait3A_323 : memref<131072xf32, #tpu.memory_space<any>>)
    %dma_wait3A_324 = arith.constant 4456448 : i32
    %dma_wait3A_325 = tpu.memref_slice %arg0[%dma_wait3A_324] : memref<16777216xf32, #tpu.memory_space<any>> -> memref<131072xf32, #tpu.memory_space<any>>
    tpu.wait_dma2 semaphore(%arg2 : memref<!tpu.dma_semaphore, #tpu.memory_space<semaphore_mem>>) src(%arg1 : memref<131072xf32, #tpu.memory_space<vmem>>) dst(%dma_wait3A_325 : memref<131072xf32, #tpu.memory_space<any>>)
    %dma_wait3A_326 = arith.constant 4587520 : i32
    %dma_wait3A_327 = tpu.memref_slice %arg0[%dma_wait3A_326] : memref<16777216xf32, #tpu.memory_space<any>> -> memref<131072xf32, #tpu.memory_space<any>>
    tpu.wait_dma2 semaphore(%arg2 : memref<!tpu.dma_semaphore, #tpu.memory_space<semaphore_mem>>) src(%arg1 : memref<131072xf32, #tpu.memory_space<vmem>>) dst(%dma_wait3A_327 : memref<131072xf32, #tpu.memory_space<any>>)
    %dma_wait3A_328 = arith.constant 4718592 : i32
    %dma_wait3A_329 = tpu.memref_slice %arg0[%dma_wait3A_328] : memref<16777216xf32, #tpu.memory_space<any>> -> memref<131072xf32, #tpu.memory_space<any>>
    tpu.wait_dma2 semaphore(%arg2 : memref<!tpu.dma_semaphore, #tpu.memory_space<semaphore_mem>>) src(%arg1 : memref<131072xf32, #tpu.memory_space<vmem>>) dst(%dma_wait3A_329 : memref<131072xf32, #tpu.memory_space<any>>)
    %dma_wait3A_330 = arith.constant 4849664 : i32
    %dma_wait3A_331 = tpu.memref_slice %arg0[%dma_wait3A_330] : memref<16777216xf32, #tpu.memory_space<any>> -> memref<131072xf32, #tpu.memory_space<any>>
    tpu.wait_dma2 semaphore(%arg2 : memref<!tpu.dma_semaphore, #tpu.memory_space<semaphore_mem>>) src(%arg1 : memref<131072xf32, #tpu.memory_space<vmem>>) dst(%dma_wait3A_331 : memref<131072xf32, #tpu.memory_space<any>>)
    %dma_wait3A_332 = arith.constant 4980736 : i32
    %dma_wait3A_333 = tpu.memref_slice %arg0[%dma_wait3A_332] : memref<16777216xf32, #tpu.memory_space<any>> -> memref<131072xf32, #tpu.memory_space<any>>
    tpu.wait_dma2 semaphore(%arg2 : memref<!tpu.dma_semaphore, #tpu.memory_space<semaphore_mem>>) src(%arg1 : memref<131072xf32, #tpu.memory_space<vmem>>) dst(%dma_wait3A_333 : memref<131072xf32, #tpu.memory_space<any>>)
    %dma_wait3A_334 = arith.constant 5111808 : i32
    %dma_wait3A_335 = tpu.memref_slice %arg0[%dma_wait3A_334] : memref<16777216xf32, #tpu.memory_space<any>> -> memref<131072xf32, #tpu.memory_space<any>>
    tpu.wait_dma2 semaphore(%arg2 : memref<!tpu.dma_semaphore, #tpu.memory_space<semaphore_mem>>) src(%arg1 : memref<131072xf32, #tpu.memory_space<vmem>>) dst(%dma_wait3A_335 : memref<131072xf32, #tpu.memory_space<any>>)
    %dma_wait3A_336 = arith.constant 5242880 : i32
    %dma_wait3A_337 = tpu.memref_slice %arg0[%dma_wait3A_336] : memref<16777216xf32, #tpu.memory_space<any>> -> memref<131072xf32, #tpu.memory_space<any>>
    tpu.wait_dma2 semaphore(%arg2 : memref<!tpu.dma_semaphore, #tpu.memory_space<semaphore_mem>>) src(%arg1 : memref<131072xf32, #tpu.memory_space<vmem>>) dst(%dma_wait3A_337 : memref<131072xf32, #tpu.memory_space<any>>)
    %dma_wait3A_338 = arith.constant 5373952 : i32
    %dma_wait3A_339 = tpu.memref_slice %arg0[%dma_wait3A_338] : memref<16777216xf32, #tpu.memory_space<any>> -> memref<131072xf32, #tpu.memory_space<any>>
    tpu.wait_dma2 semaphore(%arg2 : memref<!tpu.dma_semaphore, #tpu.memory_space<semaphore_mem>>) src(%arg1 : memref<131072xf32, #tpu.memory_space<vmem>>) dst(%dma_wait3A_339 : memref<131072xf32, #tpu.memory_space<any>>)
    %dma_wait3A_340 = arith.constant 5505024 : i32
    %dma_wait3A_341 = tpu.memref_slice %arg0[%dma_wait3A_340] : memref<16777216xf32, #tpu.memory_space<any>> -> memref<131072xf32, #tpu.memory_space<any>>
    tpu.wait_dma2 semaphore(%arg2 : memref<!tpu.dma_semaphore, #tpu.memory_space<semaphore_mem>>) src(%arg1 : memref<131072xf32, #tpu.memory_space<vmem>>) dst(%dma_wait3A_341 : memref<131072xf32, #tpu.memory_space<any>>)
    %dma_wait3A_342 = arith.constant 5636096 : i32
    %dma_wait3A_343 = tpu.memref_slice %arg0[%dma_wait3A_342] : memref<16777216xf32, #tpu.memory_space<any>> -> memref<131072xf32, #tpu.memory_space<any>>
    tpu.wait_dma2 semaphore(%arg2 : memref<!tpu.dma_semaphore, #tpu.memory_space<semaphore_mem>>) src(%arg1 : memref<131072xf32, #tpu.memory_space<vmem>>) dst(%dma_wait3A_343 : memref<131072xf32, #tpu.memory_space<any>>)
    %dma_wait3A_344 = arith.constant 5767168 : i32
    %dma_wait3A_345 = tpu.memref_slice %arg0[%dma_wait3A_344] : memref<16777216xf32, #tpu.memory_space<any>> -> memref<131072xf32, #tpu.memory_space<any>>
    tpu.wait_dma2 semaphore(%arg2 : memref<!tpu.dma_semaphore, #tpu.memory_space<semaphore_mem>>) src(%arg1 : memref<131072xf32, #tpu.memory_space<vmem>>) dst(%dma_wait3A_345 : memref<131072xf32, #tpu.memory_space<any>>)
    %dma_wait3A_346 = arith.constant 5898240 : i32
    %dma_wait3A_347 = tpu.memref_slice %arg0[%dma_wait3A_346] : memref<16777216xf32, #tpu.memory_space<any>> -> memref<131072xf32, #tpu.memory_space<any>>
    tpu.wait_dma2 semaphore(%arg2 : memref<!tpu.dma_semaphore, #tpu.memory_space<semaphore_mem>>) src(%arg1 : memref<131072xf32, #tpu.memory_space<vmem>>) dst(%dma_wait3A_347 : memref<131072xf32, #tpu.memory_space<any>>)
    %dma_wait3A_348 = arith.constant 6029312 : i32
    %dma_wait3A_349 = tpu.memref_slice %arg0[%dma_wait3A_348] : memref<16777216xf32, #tpu.memory_space<any>> -> memref<131072xf32, #tpu.memory_space<any>>
    tpu.wait_dma2 semaphore(%arg2 : memref<!tpu.dma_semaphore, #tpu.memory_space<semaphore_mem>>) src(%arg1 : memref<131072xf32, #tpu.memory_space<vmem>>) dst(%dma_wait3A_349 : memref<131072xf32, #tpu.memory_space<any>>)
    %dma_wait3A_350 = arith.constant 6160384 : i32
    %dma_wait3A_351 = tpu.memref_slice %arg0[%dma_wait3A_350] : memref<16777216xf32, #tpu.memory_space<any>> -> memref<131072xf32, #tpu.memory_space<any>>
    tpu.wait_dma2 semaphore(%arg2 : memref<!tpu.dma_semaphore, #tpu.memory_space<semaphore_mem>>) src(%arg1 : memref<131072xf32, #tpu.memory_space<vmem>>) dst(%dma_wait3A_351 : memref<131072xf32, #tpu.memory_space<any>>)
    %dma_wait3A_352 = arith.constant 6291456 : i32
    %dma_wait3A_353 = tpu.memref_slice %arg0[%dma_wait3A_352] : memref<16777216xf32, #tpu.memory_space<any>> -> memref<131072xf32, #tpu.memory_space<any>>
    tpu.wait_dma2 semaphore(%arg2 : memref<!tpu.dma_semaphore, #tpu.memory_space<semaphore_mem>>) src(%arg1 : memref<131072xf32, #tpu.memory_space<vmem>>) dst(%dma_wait3A_353 : memref<131072xf32, #tpu.memory_space<any>>)
    %dma_wait3A_354 = arith.constant 6422528 : i32
    %dma_wait3A_355 = tpu.memref_slice %arg0[%dma_wait3A_354] : memref<16777216xf32, #tpu.memory_space<any>> -> memref<131072xf32, #tpu.memory_space<any>>
    tpu.wait_dma2 semaphore(%arg2 : memref<!tpu.dma_semaphore, #tpu.memory_space<semaphore_mem>>) src(%arg1 : memref<131072xf32, #tpu.memory_space<vmem>>) dst(%dma_wait3A_355 : memref<131072xf32, #tpu.memory_space<any>>)
    %dma_wait3A_356 = arith.constant 6553600 : i32
    %dma_wait3A_357 = tpu.memref_slice %arg0[%dma_wait3A_356] : memref<16777216xf32, #tpu.memory_space<any>> -> memref<131072xf32, #tpu.memory_space<any>>
    tpu.wait_dma2 semaphore(%arg2 : memref<!tpu.dma_semaphore, #tpu.memory_space<semaphore_mem>>) src(%arg1 : memref<131072xf32, #tpu.memory_space<vmem>>) dst(%dma_wait3A_357 : memref<131072xf32, #tpu.memory_space<any>>)
    %dma_wait3A_358 = arith.constant 6684672 : i32
    %dma_wait3A_359 = tpu.memref_slice %arg0[%dma_wait3A_358] : memref<16777216xf32, #tpu.memory_space<any>> -> memref<131072xf32, #tpu.memory_space<any>>
    tpu.wait_dma2 semaphore(%arg2 : memref<!tpu.dma_semaphore, #tpu.memory_space<semaphore_mem>>) src(%arg1 : memref<131072xf32, #tpu.memory_space<vmem>>) dst(%dma_wait3A_359 : memref<131072xf32, #tpu.memory_space<any>>)
    %dma_wait3A_360 = arith.constant 6815744 : i32
    %dma_wait3A_361 = tpu.memref_slice %arg0[%dma_wait3A_360] : memref<16777216xf32, #tpu.memory_space<any>> -> memref<131072xf32, #tpu.memory_space<any>>
    tpu.wait_dma2 semaphore(%arg2 : memref<!tpu.dma_semaphore, #tpu.memory_space<semaphore_mem>>) src(%arg1 : memref<131072xf32, #tpu.memory_space<vmem>>) dst(%dma_wait3A_361 : memref<131072xf32, #tpu.memory_space<any>>)
    %dma_wait3A_362 = arith.constant 6946816 : i32
    %dma_wait3A_363 = tpu.memref_slice %arg0[%dma_wait3A_362] : memref<16777216xf32, #tpu.memory_space<any>> -> memref<131072xf32, #tpu.memory_space<any>>
    tpu.wait_dma2 semaphore(%arg2 : memref<!tpu.dma_semaphore, #tpu.memory_space<semaphore_mem>>) src(%arg1 : memref<131072xf32, #tpu.memory_space<vmem>>) dst(%dma_wait3A_363 : memref<131072xf32, #tpu.memory_space<any>>)
    %dma_wait3A_364 = arith.constant 7077888 : i32
    %dma_wait3A_365 = tpu.memref_slice %arg0[%dma_wait3A_364] : memref<16777216xf32, #tpu.memory_space<any>> -> memref<131072xf32, #tpu.memory_space<any>>
    tpu.wait_dma2 semaphore(%arg2 : memref<!tpu.dma_semaphore, #tpu.memory_space<semaphore_mem>>) src(%arg1 : memref<131072xf32, #tpu.memory_space<vmem>>) dst(%dma_wait3A_365 : memref<131072xf32, #tpu.memory_space<any>>)
    %dma_wait3A_366 = arith.constant 7208960 : i32
    %dma_wait3A_367 = tpu.memref_slice %arg0[%dma_wait3A_366] : memref<16777216xf32, #tpu.memory_space<any>> -> memref<131072xf32, #tpu.memory_space<any>>
    tpu.wait_dma2 semaphore(%arg2 : memref<!tpu.dma_semaphore, #tpu.memory_space<semaphore_mem>>) src(%arg1 : memref<131072xf32, #tpu.memory_space<vmem>>) dst(%dma_wait3A_367 : memref<131072xf32, #tpu.memory_space<any>>)
    %dma_wait3A_368 = arith.constant 7340032 : i32
    %dma_wait3A_369 = tpu.memref_slice %arg0[%dma_wait3A_368] : memref<16777216xf32, #tpu.memory_space<any>> -> memref<131072xf32, #tpu.memory_space<any>>
    tpu.wait_dma2 semaphore(%arg2 : memref<!tpu.dma_semaphore, #tpu.memory_space<semaphore_mem>>) src(%arg1 : memref<131072xf32, #tpu.memory_space<vmem>>) dst(%dma_wait3A_369 : memref<131072xf32, #tpu.memory_space<any>>)
    %dma_wait3A_370 = arith.constant 7471104 : i32
    %dma_wait3A_371 = tpu.memref_slice %arg0[%dma_wait3A_370] : memref<16777216xf32, #tpu.memory_space<any>> -> memref<131072xf32, #tpu.memory_space<any>>
    tpu.wait_dma2 semaphore(%arg2 : memref<!tpu.dma_semaphore, #tpu.memory_space<semaphore_mem>>) src(%arg1 : memref<131072xf32, #tpu.memory_space<vmem>>) dst(%dma_wait3A_371 : memref<131072xf32, #tpu.memory_space<any>>)
    %dma_wait3A_372 = arith.constant 7602176 : i32
    %dma_wait3A_373 = tpu.memref_slice %arg0[%dma_wait3A_372] : memref<16777216xf32, #tpu.memory_space<any>> -> memref<131072xf32, #tpu.memory_space<any>>
    tpu.wait_dma2 semaphore(%arg2 : memref<!tpu.dma_semaphore, #tpu.memory_space<semaphore_mem>>) src(%arg1 : memref<131072xf32, #tpu.memory_space<vmem>>) dst(%dma_wait3A_373 : memref<131072xf32, #tpu.memory_space<any>>)
    %dma_wait3A_374 = arith.constant 7733248 : i32
    %dma_wait3A_375 = tpu.memref_slice %arg0[%dma_wait3A_374] : memref<16777216xf32, #tpu.memory_space<any>> -> memref<131072xf32, #tpu.memory_space<any>>
    tpu.wait_dma2 semaphore(%arg2 : memref<!tpu.dma_semaphore, #tpu.memory_space<semaphore_mem>>) src(%arg1 : memref<131072xf32, #tpu.memory_space<vmem>>) dst(%dma_wait3A_375 : memref<131072xf32, #tpu.memory_space<any>>)
    %dma_wait3A_376 = arith.constant 7864320 : i32
    %dma_wait3A_377 = tpu.memref_slice %arg0[%dma_wait3A_376] : memref<16777216xf32, #tpu.memory_space<any>> -> memref<131072xf32, #tpu.memory_space<any>>
    tpu.wait_dma2 semaphore(%arg2 : memref<!tpu.dma_semaphore, #tpu.memory_space<semaphore_mem>>) src(%arg1 : memref<131072xf32, #tpu.memory_space<vmem>>) dst(%dma_wait3A_377 : memref<131072xf32, #tpu.memory_space<any>>)
    %dma_wait3A_378 = arith.constant 7995392 : i32
    %dma_wait3A_379 = tpu.memref_slice %arg0[%dma_wait3A_378] : memref<16777216xf32, #tpu.memory_space<any>> -> memref<131072xf32, #tpu.memory_space<any>>
    tpu.wait_dma2 semaphore(%arg2 : memref<!tpu.dma_semaphore, #tpu.memory_space<semaphore_mem>>) src(%arg1 : memref<131072xf32, #tpu.memory_space<vmem>>) dst(%dma_wait3A_379 : memref<131072xf32, #tpu.memory_space<any>>)
    %dma_wait3A_380 = arith.constant 8126464 : i32
    %dma_wait3A_381 = tpu.memref_slice %arg0[%dma_wait3A_380] : memref<16777216xf32, #tpu.memory_space<any>> -> memref<131072xf32, #tpu.memory_space<any>>
    tpu.wait_dma2 semaphore(%arg2 : memref<!tpu.dma_semaphore, #tpu.memory_space<semaphore_mem>>) src(%arg1 : memref<131072xf32, #tpu.memory_space<vmem>>) dst(%dma_wait3A_381 : memref<131072xf32, #tpu.memory_space<any>>)
    %dma_wait3A_382 = arith.constant 8257536 : i32
    %dma_wait3A_383 = tpu.memref_slice %arg0[%dma_wait3A_382] : memref<16777216xf32, #tpu.memory_space<any>> -> memref<131072xf32, #tpu.memory_space<any>>
    tpu.wait_dma2 semaphore(%arg2 : memref<!tpu.dma_semaphore, #tpu.memory_space<semaphore_mem>>) src(%arg1 : memref<131072xf32, #tpu.memory_space<vmem>>) dst(%dma_wait3A_383 : memref<131072xf32, #tpu.memory_space<any>>)
    %dma_wait3A_384 = arith.constant 8388608 : i32
    %dma_wait3A_385 = tpu.memref_slice %arg0[%dma_wait3A_384] : memref<16777216xf32, #tpu.memory_space<any>> -> memref<131072xf32, #tpu.memory_space<any>>
    tpu.wait_dma2 semaphore(%arg2 : memref<!tpu.dma_semaphore, #tpu.memory_space<semaphore_mem>>) src(%arg1 : memref<131072xf32, #tpu.memory_space<vmem>>) dst(%dma_wait3A_385 : memref<131072xf32, #tpu.memory_space<any>>)
    %dma_wait3A_386 = arith.constant 8519680 : i32
    %dma_wait3A_387 = tpu.memref_slice %arg0[%dma_wait3A_386] : memref<16777216xf32, #tpu.memory_space<any>> -> memref<131072xf32, #tpu.memory_space<any>>
    tpu.wait_dma2 semaphore(%arg2 : memref<!tpu.dma_semaphore, #tpu.memory_space<semaphore_mem>>) src(%arg1 : memref<131072xf32, #tpu.memory_space<vmem>>) dst(%dma_wait3A_387 : memref<131072xf32, #tpu.memory_space<any>>)
    %dma_wait3A_388 = arith.constant 8650752 : i32
    %dma_wait3A_389 = tpu.memref_slice %arg0[%dma_wait3A_388] : memref<16777216xf32, #tpu.memory_space<any>> -> memref<131072xf32, #tpu.memory_space<any>>
    tpu.wait_dma2 semaphore(%arg2 : memref<!tpu.dma_semaphore, #tpu.memory_space<semaphore_mem>>) src(%arg1 : memref<131072xf32, #tpu.memory_space<vmem>>) dst(%dma_wait3A_389 : memref<131072xf32, #tpu.memory_space<any>>)
    %dma_wait3A_390 = arith.constant 8781824 : i32
    %dma_wait3A_391 = tpu.memref_slice %arg0[%dma_wait3A_390] : memref<16777216xf32, #tpu.memory_space<any>> -> memref<131072xf32, #tpu.memory_space<any>>
    tpu.wait_dma2 semaphore(%arg2 : memref<!tpu.dma_semaphore, #tpu.memory_space<semaphore_mem>>) src(%arg1 : memref<131072xf32, #tpu.memory_space<vmem>>) dst(%dma_wait3A_391 : memref<131072xf32, #tpu.memory_space<any>>)
    %dma_wait3A_392 = arith.constant 8912896 : i32
    %dma_wait3A_393 = tpu.memref_slice %arg0[%dma_wait3A_392] : memref<16777216xf32, #tpu.memory_space<any>> -> memref<131072xf32, #tpu.memory_space<any>>
    tpu.wait_dma2 semaphore(%arg2 : memref<!tpu.dma_semaphore, #tpu.memory_space<semaphore_mem>>) src(%arg1 : memref<131072xf32, #tpu.memory_space<vmem>>) dst(%dma_wait3A_393 : memref<131072xf32, #tpu.memory_space<any>>)
    %dma_wait3A_394 = arith.constant 9043968 : i32
    %dma_wait3A_395 = tpu.memref_slice %arg0[%dma_wait3A_394] : memref<16777216xf32, #tpu.memory_space<any>> -> memref<131072xf32, #tpu.memory_space<any>>
    tpu.wait_dma2 semaphore(%arg2 : memref<!tpu.dma_semaphore, #tpu.memory_space<semaphore_mem>>) src(%arg1 : memref<131072xf32, #tpu.memory_space<vmem>>) dst(%dma_wait3A_395 : memref<131072xf32, #tpu.memory_space<any>>)
    %dma_wait3A_396 = arith.constant 9175040 : i32
    %dma_wait3A_397 = tpu.memref_slice %arg0[%dma_wait3A_396] : memref<16777216xf32, #tpu.memory_space<any>> -> memref<131072xf32, #tpu.memory_space<any>>
    tpu.wait_dma2 semaphore(%arg2 : memref<!tpu.dma_semaphore, #tpu.memory_space<semaphore_mem>>) src(%arg1 : memref<131072xf32, #tpu.memory_space<vmem>>) dst(%dma_wait3A_397 : memref<131072xf32, #tpu.memory_space<any>>)
    %dma_wait3A_398 = arith.constant 9306112 : i32
    %dma_wait3A_399 = tpu.memref_slice %arg0[%dma_wait3A_398] : memref<16777216xf32, #tpu.memory_space<any>> -> memref<131072xf32, #tpu.memory_space<any>>
    tpu.wait_dma2 semaphore(%arg2 : memref<!tpu.dma_semaphore, #tpu.memory_space<semaphore_mem>>) src(%arg1 : memref<131072xf32, #tpu.memory_space<vmem>>) dst(%dma_wait3A_399 : memref<131072xf32, #tpu.memory_space<any>>)
    %dma_wait3A_400 = arith.constant 9437184 : i32
    %dma_wait3A_401 = tpu.memref_slice %arg0[%dma_wait3A_400] : memref<16777216xf32, #tpu.memory_space<any>> -> memref<131072xf32, #tpu.memory_space<any>>
    tpu.wait_dma2 semaphore(%arg2 : memref<!tpu.dma_semaphore, #tpu.memory_space<semaphore_mem>>) src(%arg1 : memref<131072xf32, #tpu.memory_space<vmem>>) dst(%dma_wait3A_401 : memref<131072xf32, #tpu.memory_space<any>>)
    %dma_wait3A_402 = arith.constant 9568256 : i32
    %dma_wait3A_403 = tpu.memref_slice %arg0[%dma_wait3A_402] : memref<16777216xf32, #tpu.memory_space<any>> -> memref<131072xf32, #tpu.memory_space<any>>
    tpu.wait_dma2 semaphore(%arg2 : memref<!tpu.dma_semaphore, #tpu.memory_space<semaphore_mem>>) src(%arg1 : memref<131072xf32, #tpu.memory_space<vmem>>) dst(%dma_wait3A_403 : memref<131072xf32, #tpu.memory_space<any>>)
    %dma_wait3A_404 = arith.constant 9699328 : i32
    %dma_wait3A_405 = tpu.memref_slice %arg0[%dma_wait3A_404] : memref<16777216xf32, #tpu.memory_space<any>> -> memref<131072xf32, #tpu.memory_space<any>>
    tpu.wait_dma2 semaphore(%arg2 : memref<!tpu.dma_semaphore, #tpu.memory_space<semaphore_mem>>) src(%arg1 : memref<131072xf32, #tpu.memory_space<vmem>>) dst(%dma_wait3A_405 : memref<131072xf32, #tpu.memory_space<any>>)
    %dma_wait3A_406 = arith.constant 9830400 : i32
    %dma_wait3A_407 = tpu.memref_slice %arg0[%dma_wait3A_406] : memref<16777216xf32, #tpu.memory_space<any>> -> memref<131072xf32, #tpu.memory_space<any>>
    tpu.wait_dma2 semaphore(%arg2 : memref<!tpu.dma_semaphore, #tpu.memory_space<semaphore_mem>>) src(%arg1 : memref<131072xf32, #tpu.memory_space<vmem>>) dst(%dma_wait3A_407 : memref<131072xf32, #tpu.memory_space<any>>)
    %dma_wait3A_408 = arith.constant 9961472 : i32
    %dma_wait3A_409 = tpu.memref_slice %arg0[%dma_wait3A_408] : memref<16777216xf32, #tpu.memory_space<any>> -> memref<131072xf32, #tpu.memory_space<any>>
    tpu.wait_dma2 semaphore(%arg2 : memref<!tpu.dma_semaphore, #tpu.memory_space<semaphore_mem>>) src(%arg1 : memref<131072xf32, #tpu.memory_space<vmem>>) dst(%dma_wait3A_409 : memref<131072xf32, #tpu.memory_space<any>>)
    %dma_wait3A_410 = arith.constant 10092544 : i32
    %dma_wait3A_411 = tpu.memref_slice %arg0[%dma_wait3A_410] : memref<16777216xf32, #tpu.memory_space<any>> -> memref<131072xf32, #tpu.memory_space<any>>
    tpu.wait_dma2 semaphore(%arg2 : memref<!tpu.dma_semaphore, #tpu.memory_space<semaphore_mem>>) src(%arg1 : memref<131072xf32, #tpu.memory_space<vmem>>) dst(%dma_wait3A_411 : memref<131072xf32, #tpu.memory_space<any>>)
    %dma_wait3A_412 = arith.constant 10223616 : i32
    %dma_wait3A_413 = tpu.memref_slice %arg0[%dma_wait3A_412] : memref<16777216xf32, #tpu.memory_space<any>> -> memref<131072xf32, #tpu.memory_space<any>>
    tpu.wait_dma2 semaphore(%arg2 : memref<!tpu.dma_semaphore, #tpu.memory_space<semaphore_mem>>) src(%arg1 : memref<131072xf32, #tpu.memory_space<vmem>>) dst(%dma_wait3A_413 : memref<131072xf32, #tpu.memory_space<any>>)
    %dma_wait3A_414 = arith.constant 10354688 : i32
    %dma_wait3A_415 = tpu.memref_slice %arg0[%dma_wait3A_414] : memref<16777216xf32, #tpu.memory_space<any>> -> memref<131072xf32, #tpu.memory_space<any>>
    tpu.wait_dma2 semaphore(%arg2 : memref<!tpu.dma_semaphore, #tpu.memory_space<semaphore_mem>>) src(%arg1 : memref<131072xf32, #tpu.memory_space<vmem>>) dst(%dma_wait3A_415 : memref<131072xf32, #tpu.memory_space<any>>)
    %dma_wait3A_416 = arith.constant 10485760 : i32
    %dma_wait3A_417 = tpu.memref_slice %arg0[%dma_wait3A_416] : memref<16777216xf32, #tpu.memory_space<any>> -> memref<131072xf32, #tpu.memory_space<any>>
    tpu.wait_dma2 semaphore(%arg2 : memref<!tpu.dma_semaphore, #tpu.memory_space<semaphore_mem>>) src(%arg1 : memref<131072xf32, #tpu.memory_space<vmem>>) dst(%dma_wait3A_417 : memref<131072xf32, #tpu.memory_space<any>>)
    %dma_wait3A_418 = arith.constant 10616832 : i32
    %dma_wait3A_419 = tpu.memref_slice %arg0[%dma_wait3A_418] : memref<16777216xf32, #tpu.memory_space<any>> -> memref<131072xf32, #tpu.memory_space<any>>
    tpu.wait_dma2 semaphore(%arg2 : memref<!tpu.dma_semaphore, #tpu.memory_space<semaphore_mem>>) src(%arg1 : memref<131072xf32, #tpu.memory_space<vmem>>) dst(%dma_wait3A_419 : memref<131072xf32, #tpu.memory_space<any>>)
    %dma_wait3A_420 = arith.constant 10747904 : i32
    %dma_wait3A_421 = tpu.memref_slice %arg0[%dma_wait3A_420] : memref<16777216xf32, #tpu.memory_space<any>> -> memref<131072xf32, #tpu.memory_space<any>>
    tpu.wait_dma2 semaphore(%arg2 : memref<!tpu.dma_semaphore, #tpu.memory_space<semaphore_mem>>) src(%arg1 : memref<131072xf32, #tpu.memory_space<vmem>>) dst(%dma_wait3A_421 : memref<131072xf32, #tpu.memory_space<any>>)
    %dma_wait3A_422 = arith.constant 10878976 : i32
    %dma_wait3A_423 = tpu.memref_slice %arg0[%dma_wait3A_422] : memref<16777216xf32, #tpu.memory_space<any>> -> memref<131072xf32, #tpu.memory_space<any>>
    tpu.wait_dma2 semaphore(%arg2 : memref<!tpu.dma_semaphore, #tpu.memory_space<semaphore_mem>>) src(%arg1 : memref<131072xf32, #tpu.memory_space<vmem>>) dst(%dma_wait3A_423 : memref<131072xf32, #tpu.memory_space<any>>)
    %dma_wait3A_424 = arith.constant 11010048 : i32
    %dma_wait3A_425 = tpu.memref_slice %arg0[%dma_wait3A_424] : memref<16777216xf32, #tpu.memory_space<any>> -> memref<131072xf32, #tpu.memory_space<any>>
    tpu.wait_dma2 semaphore(%arg2 : memref<!tpu.dma_semaphore, #tpu.memory_space<semaphore_mem>>) src(%arg1 : memref<131072xf32, #tpu.memory_space<vmem>>) dst(%dma_wait3A_425 : memref<131072xf32, #tpu.memory_space<any>>)
    %dma_wait3A_426 = arith.constant 11141120 : i32
    %dma_wait3A_427 = tpu.memref_slice %arg0[%dma_wait3A_426] : memref<16777216xf32, #tpu.memory_space<any>> -> memref<131072xf32, #tpu.memory_space<any>>
    tpu.wait_dma2 semaphore(%arg2 : memref<!tpu.dma_semaphore, #tpu.memory_space<semaphore_mem>>) src(%arg1 : memref<131072xf32, #tpu.memory_space<vmem>>) dst(%dma_wait3A_427 : memref<131072xf32, #tpu.memory_space<any>>)
    %dma_wait3A_428 = arith.constant 11272192 : i32
    %dma_wait3A_429 = tpu.memref_slice %arg0[%dma_wait3A_428] : memref<16777216xf32, #tpu.memory_space<any>> -> memref<131072xf32, #tpu.memory_space<any>>
    tpu.wait_dma2 semaphore(%arg2 : memref<!tpu.dma_semaphore, #tpu.memory_space<semaphore_mem>>) src(%arg1 : memref<131072xf32, #tpu.memory_space<vmem>>) dst(%dma_wait3A_429 : memref<131072xf32, #tpu.memory_space<any>>)
    %dma_wait3A_430 = arith.constant 11403264 : i32
    %dma_wait3A_431 = tpu.memref_slice %arg0[%dma_wait3A_430] : memref<16777216xf32, #tpu.memory_space<any>> -> memref<131072xf32, #tpu.memory_space<any>>
    tpu.wait_dma2 semaphore(%arg2 : memref<!tpu.dma_semaphore, #tpu.memory_space<semaphore_mem>>) src(%arg1 : memref<131072xf32, #tpu.memory_space<vmem>>) dst(%dma_wait3A_431 : memref<131072xf32, #tpu.memory_space<any>>)
    %dma_wait3A_432 = arith.constant 11534336 : i32
    %dma_wait3A_433 = tpu.memref_slice %arg0[%dma_wait3A_432] : memref<16777216xf32, #tpu.memory_space<any>> -> memref<131072xf32, #tpu.memory_space<any>>
    tpu.wait_dma2 semaphore(%arg2 : memref<!tpu.dma_semaphore, #tpu.memory_space<semaphore_mem>>) src(%arg1 : memref<131072xf32, #tpu.memory_space<vmem>>) dst(%dma_wait3A_433 : memref<131072xf32, #tpu.memory_space<any>>)
    %dma_wait3A_434 = arith.constant 11665408 : i32
    %dma_wait3A_435 = tpu.memref_slice %arg0[%dma_wait3A_434] : memref<16777216xf32, #tpu.memory_space<any>> -> memref<131072xf32, #tpu.memory_space<any>>
    tpu.wait_dma2 semaphore(%arg2 : memref<!tpu.dma_semaphore, #tpu.memory_space<semaphore_mem>>) src(%arg1 : memref<131072xf32, #tpu.memory_space<vmem>>) dst(%dma_wait3A_435 : memref<131072xf32, #tpu.memory_space<any>>)
    %dma_wait3A_436 = arith.constant 11796480 : i32
    %dma_wait3A_437 = tpu.memref_slice %arg0[%dma_wait3A_436] : memref<16777216xf32, #tpu.memory_space<any>> -> memref<131072xf32, #tpu.memory_space<any>>
    tpu.wait_dma2 semaphore(%arg2 : memref<!tpu.dma_semaphore, #tpu.memory_space<semaphore_mem>>) src(%arg1 : memref<131072xf32, #tpu.memory_space<vmem>>) dst(%dma_wait3A_437 : memref<131072xf32, #tpu.memory_space<any>>)
    %dma_wait3A_438 = arith.constant 11927552 : i32
    %dma_wait3A_439 = tpu.memref_slice %arg0[%dma_wait3A_438] : memref<16777216xf32, #tpu.memory_space<any>> -> memref<131072xf32, #tpu.memory_space<any>>
    tpu.wait_dma2 semaphore(%arg2 : memref<!tpu.dma_semaphore, #tpu.memory_space<semaphore_mem>>) src(%arg1 : memref<131072xf32, #tpu.memory_space<vmem>>) dst(%dma_wait3A_439 : memref<131072xf32, #tpu.memory_space<any>>)
    %dma_wait3A_440 = arith.constant 12058624 : i32
    %dma_wait3A_441 = tpu.memref_slice %arg0[%dma_wait3A_440] : memref<16777216xf32, #tpu.memory_space<any>> -> memref<131072xf32, #tpu.memory_space<any>>
    tpu.wait_dma2 semaphore(%arg2 : memref<!tpu.dma_semaphore, #tpu.memory_space<semaphore_mem>>) src(%arg1 : memref<131072xf32, #tpu.memory_space<vmem>>) dst(%dma_wait3A_441 : memref<131072xf32, #tpu.memory_space<any>>)
    %dma_wait3A_442 = arith.constant 12189696 : i32
    %dma_wait3A_443 = tpu.memref_slice %arg0[%dma_wait3A_442] : memref<16777216xf32, #tpu.memory_space<any>> -> memref<131072xf32, #tpu.memory_space<any>>
    tpu.wait_dma2 semaphore(%arg2 : memref<!tpu.dma_semaphore, #tpu.memory_space<semaphore_mem>>) src(%arg1 : memref<131072xf32, #tpu.memory_space<vmem>>) dst(%dma_wait3A_443 : memref<131072xf32, #tpu.memory_space<any>>)
    %dma_wait3A_444 = arith.constant 12320768 : i32
    %dma_wait3A_445 = tpu.memref_slice %arg0[%dma_wait3A_444] : memref<16777216xf32, #tpu.memory_space<any>> -> memref<131072xf32, #tpu.memory_space<any>>
    tpu.wait_dma2 semaphore(%arg2 : memref<!tpu.dma_semaphore, #tpu.memory_space<semaphore_mem>>) src(%arg1 : memref<131072xf32, #tpu.memory_space<vmem>>) dst(%dma_wait3A_445 : memref<131072xf32, #tpu.memory_space<any>>)
    %dma_wait3A_446 = arith.constant 12451840 : i32
    %dma_wait3A_447 = tpu.memref_slice %arg0[%dma_wait3A_446] : memref<16777216xf32, #tpu.memory_space<any>> -> memref<131072xf32, #tpu.memory_space<any>>
    tpu.wait_dma2 semaphore(%arg2 : memref<!tpu.dma_semaphore, #tpu.memory_space<semaphore_mem>>) src(%arg1 : memref<131072xf32, #tpu.memory_space<vmem>>) dst(%dma_wait3A_447 : memref<131072xf32, #tpu.memory_space<any>>)
    %dma_wait3A_448 = arith.constant 12582912 : i32
    %dma_wait3A_449 = tpu.memref_slice %arg0[%dma_wait3A_448] : memref<16777216xf32, #tpu.memory_space<any>> -> memref<131072xf32, #tpu.memory_space<any>>
    tpu.wait_dma2 semaphore(%arg2 : memref<!tpu.dma_semaphore, #tpu.memory_space<semaphore_mem>>) src(%arg1 : memref<131072xf32, #tpu.memory_space<vmem>>) dst(%dma_wait3A_449 : memref<131072xf32, #tpu.memory_space<any>>)
    %dma_wait3A_450 = arith.constant 12713984 : i32
    %dma_wait3A_451 = tpu.memref_slice %arg0[%dma_wait3A_450] : memref<16777216xf32, #tpu.memory_space<any>> -> memref<131072xf32, #tpu.memory_space<any>>
    tpu.wait_dma2 semaphore(%arg2 : memref<!tpu.dma_semaphore, #tpu.memory_space<semaphore_mem>>) src(%arg1 : memref<131072xf32, #tpu.memory_space<vmem>>) dst(%dma_wait3A_451 : memref<131072xf32, #tpu.memory_space<any>>)
    %dma_wait3A_452 = arith.constant 12845056 : i32
    %dma_wait3A_453 = tpu.memref_slice %arg0[%dma_wait3A_452] : memref<16777216xf32, #tpu.memory_space<any>> -> memref<131072xf32, #tpu.memory_space<any>>
    tpu.wait_dma2 semaphore(%arg2 : memref<!tpu.dma_semaphore, #tpu.memory_space<semaphore_mem>>) src(%arg1 : memref<131072xf32, #tpu.memory_space<vmem>>) dst(%dma_wait3A_453 : memref<131072xf32, #tpu.memory_space<any>>)
    %dma_wait3A_454 = arith.constant 12976128 : i32
    %dma_wait3A_455 = tpu.memref_slice %arg0[%dma_wait3A_454] : memref<16777216xf32, #tpu.memory_space<any>> -> memref<131072xf32, #tpu.memory_space<any>>
    tpu.wait_dma2 semaphore(%arg2 : memref<!tpu.dma_semaphore, #tpu.memory_space<semaphore_mem>>) src(%arg1 : memref<131072xf32, #tpu.memory_space<vmem>>) dst(%dma_wait3A_455 : memref<131072xf32, #tpu.memory_space<any>>)
    %dma_wait3A_456 = arith.constant 13107200 : i32
    %dma_wait3A_457 = tpu.memref_slice %arg0[%dma_wait3A_456] : memref<16777216xf32, #tpu.memory_space<any>> -> memref<131072xf32, #tpu.memory_space<any>>
    tpu.wait_dma2 semaphore(%arg2 : memref<!tpu.dma_semaphore, #tpu.memory_space<semaphore_mem>>) src(%arg1 : memref<131072xf32, #tpu.memory_space<vmem>>) dst(%dma_wait3A_457 : memref<131072xf32, #tpu.memory_space<any>>)
    %dma_wait3A_458 = arith.constant 13238272 : i32
    %dma_wait3A_459 = tpu.memref_slice %arg0[%dma_wait3A_458] : memref<16777216xf32, #tpu.memory_space<any>> -> memref<131072xf32, #tpu.memory_space<any>>
    tpu.wait_dma2 semaphore(%arg2 : memref<!tpu.dma_semaphore, #tpu.memory_space<semaphore_mem>>) src(%arg1 : memref<131072xf32, #tpu.memory_space<vmem>>) dst(%dma_wait3A_459 : memref<131072xf32, #tpu.memory_space<any>>)
    %dma_wait3A_460 = arith.constant 13369344 : i32
    %dma_wait3A_461 = tpu.memref_slice %arg0[%dma_wait3A_460] : memref<16777216xf32, #tpu.memory_space<any>> -> memref<131072xf32, #tpu.memory_space<any>>
    tpu.wait_dma2 semaphore(%arg2 : memref<!tpu.dma_semaphore, #tpu.memory_space<semaphore_mem>>) src(%arg1 : memref<131072xf32, #tpu.memory_space<vmem>>) dst(%dma_wait3A_461 : memref<131072xf32, #tpu.memory_space<any>>)
    %dma_wait3A_462 = arith.constant 13500416 : i32
    %dma_wait3A_463 = tpu.memref_slice %arg0[%dma_wait3A_462] : memref<16777216xf32, #tpu.memory_space<any>> -> memref<131072xf32, #tpu.memory_space<any>>
    tpu.wait_dma2 semaphore(%arg2 : memref<!tpu.dma_semaphore, #tpu.memory_space<semaphore_mem>>) src(%arg1 : memref<131072xf32, #tpu.memory_space<vmem>>) dst(%dma_wait3A_463 : memref<131072xf32, #tpu.memory_space<any>>)
    %dma_wait3A_464 = arith.constant 13631488 : i32
    %dma_wait3A_465 = tpu.memref_slice %arg0[%dma_wait3A_464] : memref<16777216xf32, #tpu.memory_space<any>> -> memref<131072xf32, #tpu.memory_space<any>>
    tpu.wait_dma2 semaphore(%arg2 : memref<!tpu.dma_semaphore, #tpu.memory_space<semaphore_mem>>) src(%arg1 : memref<131072xf32, #tpu.memory_space<vmem>>) dst(%dma_wait3A_465 : memref<131072xf32, #tpu.memory_space<any>>)
    %dma_wait3A_466 = arith.constant 13762560 : i32
    %dma_wait3A_467 = tpu.memref_slice %arg0[%dma_wait3A_466] : memref<16777216xf32, #tpu.memory_space<any>> -> memref<131072xf32, #tpu.memory_space<any>>
    tpu.wait_dma2 semaphore(%arg2 : memref<!tpu.dma_semaphore, #tpu.memory_space<semaphore_mem>>) src(%arg1 : memref<131072xf32, #tpu.memory_space<vmem>>) dst(%dma_wait3A_467 : memref<131072xf32, #tpu.memory_space<any>>)
    %dma_wait3A_468 = arith.constant 13893632 : i32
    %dma_wait3A_469 = tpu.memref_slice %arg0[%dma_wait3A_468] : memref<16777216xf32, #tpu.memory_space<any>> -> memref<131072xf32, #tpu.memory_space<any>>
    tpu.wait_dma2 semaphore(%arg2 : memref<!tpu.dma_semaphore, #tpu.memory_space<semaphore_mem>>) src(%arg1 : memref<131072xf32, #tpu.memory_space<vmem>>) dst(%dma_wait3A_469 : memref<131072xf32, #tpu.memory_space<any>>)
    %dma_wait3A_470 = arith.constant 14024704 : i32
    %dma_wait3A_471 = tpu.memref_slice %arg0[%dma_wait3A_470] : memref<16777216xf32, #tpu.memory_space<any>> -> memref<131072xf32, #tpu.memory_space<any>>
    tpu.wait_dma2 semaphore(%arg2 : memref<!tpu.dma_semaphore, #tpu.memory_space<semaphore_mem>>) src(%arg1 : memref<131072xf32, #tpu.memory_space<vmem>>) dst(%dma_wait3A_471 : memref<131072xf32, #tpu.memory_space<any>>)
    %dma_wait3A_472 = arith.constant 14155776 : i32
    %dma_wait3A_473 = tpu.memref_slice %arg0[%dma_wait3A_472] : memref<16777216xf32, #tpu.memory_space<any>> -> memref<131072xf32, #tpu.memory_space<any>>
    tpu.wait_dma2 semaphore(%arg2 : memref<!tpu.dma_semaphore, #tpu.memory_space<semaphore_mem>>) src(%arg1 : memref<131072xf32, #tpu.memory_space<vmem>>) dst(%dma_wait3A_473 : memref<131072xf32, #tpu.memory_space<any>>)
    %dma_wait3A_474 = arith.constant 14286848 : i32
    %dma_wait3A_475 = tpu.memref_slice %arg0[%dma_wait3A_474] : memref<16777216xf32, #tpu.memory_space<any>> -> memref<131072xf32, #tpu.memory_space<any>>
    tpu.wait_dma2 semaphore(%arg2 : memref<!tpu.dma_semaphore, #tpu.memory_space<semaphore_mem>>) src(%arg1 : memref<131072xf32, #tpu.memory_space<vmem>>) dst(%dma_wait3A_475 : memref<131072xf32, #tpu.memory_space<any>>)
    %dma_wait3A_476 = arith.constant 14417920 : i32
    %dma_wait3A_477 = tpu.memref_slice %arg0[%dma_wait3A_476] : memref<16777216xf32, #tpu.memory_space<any>> -> memref<131072xf32, #tpu.memory_space<any>>
    tpu.wait_dma2 semaphore(%arg2 : memref<!tpu.dma_semaphore, #tpu.memory_space<semaphore_mem>>) src(%arg1 : memref<131072xf32, #tpu.memory_space<vmem>>) dst(%dma_wait3A_477 : memref<131072xf32, #tpu.memory_space<any>>)
    %dma_wait3A_478 = arith.constant 14548992 : i32
    %dma_wait3A_479 = tpu.memref_slice %arg0[%dma_wait3A_478] : memref<16777216xf32, #tpu.memory_space<any>> -> memref<131072xf32, #tpu.memory_space<any>>
    tpu.wait_dma2 semaphore(%arg2 : memref<!tpu.dma_semaphore, #tpu.memory_space<semaphore_mem>>) src(%arg1 : memref<131072xf32, #tpu.memory_space<vmem>>) dst(%dma_wait3A_479 : memref<131072xf32, #tpu.memory_space<any>>)
    %dma_wait3A_480 = arith.constant 14680064 : i32
    %dma_wait3A_481 = tpu.memref_slice %arg0[%dma_wait3A_480] : memref<16777216xf32, #tpu.memory_space<any>> -> memref<131072xf32, #tpu.memory_space<any>>
    tpu.wait_dma2 semaphore(%arg2 : memref<!tpu.dma_semaphore, #tpu.memory_space<semaphore_mem>>) src(%arg1 : memref<131072xf32, #tpu.memory_space<vmem>>) dst(%dma_wait3A_481 : memref<131072xf32, #tpu.memory_space<any>>)
    %dma_wait3A_482 = arith.constant 14811136 : i32
    %dma_wait3A_483 = tpu.memref_slice %arg0[%dma_wait3A_482] : memref<16777216xf32, #tpu.memory_space<any>> -> memref<131072xf32, #tpu.memory_space<any>>
    tpu.wait_dma2 semaphore(%arg2 : memref<!tpu.dma_semaphore, #tpu.memory_space<semaphore_mem>>) src(%arg1 : memref<131072xf32, #tpu.memory_space<vmem>>) dst(%dma_wait3A_483 : memref<131072xf32, #tpu.memory_space<any>>)
    %dma_wait3A_484 = arith.constant 14942208 : i32
    %dma_wait3A_485 = tpu.memref_slice %arg0[%dma_wait3A_484] : memref<16777216xf32, #tpu.memory_space<any>> -> memref<131072xf32, #tpu.memory_space<any>>
    tpu.wait_dma2 semaphore(%arg2 : memref<!tpu.dma_semaphore, #tpu.memory_space<semaphore_mem>>) src(%arg1 : memref<131072xf32, #tpu.memory_space<vmem>>) dst(%dma_wait3A_485 : memref<131072xf32, #tpu.memory_space<any>>)
    %dma_wait3A_486 = arith.constant 15073280 : i32
    %dma_wait3A_487 = tpu.memref_slice %arg0[%dma_wait3A_486] : memref<16777216xf32, #tpu.memory_space<any>> -> memref<131072xf32, #tpu.memory_space<any>>
    tpu.wait_dma2 semaphore(%arg2 : memref<!tpu.dma_semaphore, #tpu.memory_space<semaphore_mem>>) src(%arg1 : memref<131072xf32, #tpu.memory_space<vmem>>) dst(%dma_wait3A_487 : memref<131072xf32, #tpu.memory_space<any>>)
    %dma_wait3A_488 = arith.constant 15204352 : i32
    %dma_wait3A_489 = tpu.memref_slice %arg0[%dma_wait3A_488] : memref<16777216xf32, #tpu.memory_space<any>> -> memref<131072xf32, #tpu.memory_space<any>>
    tpu.wait_dma2 semaphore(%arg2 : memref<!tpu.dma_semaphore, #tpu.memory_space<semaphore_mem>>) src(%arg1 : memref<131072xf32, #tpu.memory_space<vmem>>) dst(%dma_wait3A_489 : memref<131072xf32, #tpu.memory_space<any>>)
    %dma_wait3A_490 = arith.constant 15335424 : i32
    %dma_wait3A_491 = tpu.memref_slice %arg0[%dma_wait3A_490] : memref<16777216xf32, #tpu.memory_space<any>> -> memref<131072xf32, #tpu.memory_space<any>>
    tpu.wait_dma2 semaphore(%arg2 : memref<!tpu.dma_semaphore, #tpu.memory_space<semaphore_mem>>) src(%arg1 : memref<131072xf32, #tpu.memory_space<vmem>>) dst(%dma_wait3A_491 : memref<131072xf32, #tpu.memory_space<any>>)
    %dma_wait3A_492 = arith.constant 15466496 : i32
    %dma_wait3A_493 = tpu.memref_slice %arg0[%dma_wait3A_492] : memref<16777216xf32, #tpu.memory_space<any>> -> memref<131072xf32, #tpu.memory_space<any>>
    tpu.wait_dma2 semaphore(%arg2 : memref<!tpu.dma_semaphore, #tpu.memory_space<semaphore_mem>>) src(%arg1 : memref<131072xf32, #tpu.memory_space<vmem>>) dst(%dma_wait3A_493 : memref<131072xf32, #tpu.memory_space<any>>)
    %dma_wait3A_494 = arith.constant 15597568 : i32
    %dma_wait3A_495 = tpu.memref_slice %arg0[%dma_wait3A_494] : memref<16777216xf32, #tpu.memory_space<any>> -> memref<131072xf32, #tpu.memory_space<any>>
    tpu.wait_dma2 semaphore(%arg2 : memref<!tpu.dma_semaphore, #tpu.memory_space<semaphore_mem>>) src(%arg1 : memref<131072xf32, #tpu.memory_space<vmem>>) dst(%dma_wait3A_495 : memref<131072xf32, #tpu.memory_space<any>>)
    %dma_wait3A_496 = arith.constant 15728640 : i32
    %dma_wait3A_497 = tpu.memref_slice %arg0[%dma_wait3A_496] : memref<16777216xf32, #tpu.memory_space<any>> -> memref<131072xf32, #tpu.memory_space<any>>
    tpu.wait_dma2 semaphore(%arg2 : memref<!tpu.dma_semaphore, #tpu.memory_space<semaphore_mem>>) src(%arg1 : memref<131072xf32, #tpu.memory_space<vmem>>) dst(%dma_wait3A_497 : memref<131072xf32, #tpu.memory_space<any>>)
    %dma_wait3A_498 = arith.constant 15859712 : i32
    %dma_wait3A_499 = tpu.memref_slice %arg0[%dma_wait3A_498] : memref<16777216xf32, #tpu.memory_space<any>> -> memref<131072xf32, #tpu.memory_space<any>>
    tpu.wait_dma2 semaphore(%arg2 : memref<!tpu.dma_semaphore, #tpu.memory_space<semaphore_mem>>) src(%arg1 : memref<131072xf32, #tpu.memory_space<vmem>>) dst(%dma_wait3A_499 : memref<131072xf32, #tpu.memory_space<any>>)
    %dma_wait3A_500 = arith.constant 15990784 : i32
    %dma_wait3A_501 = tpu.memref_slice %arg0[%dma_wait3A_500] : memref<16777216xf32, #tpu.memory_space<any>> -> memref<131072xf32, #tpu.memory_space<any>>
    tpu.wait_dma2 semaphore(%arg2 : memref<!tpu.dma_semaphore, #tpu.memory_space<semaphore_mem>>) src(%arg1 : memref<131072xf32, #tpu.memory_space<vmem>>) dst(%dma_wait3A_501 : memref<131072xf32, #tpu.memory_space<any>>)
    %dma_wait3A_502 = arith.constant 16121856 : i32
    %dma_wait3A_503 = tpu.memref_slice %arg0[%dma_wait3A_502] : memref<16777216xf32, #tpu.memory_space<any>> -> memref<131072xf32, #tpu.memory_space<any>>
    tpu.wait_dma2 semaphore(%arg2 : memref<!tpu.dma_semaphore, #tpu.memory_space<semaphore_mem>>) src(%arg1 : memref<131072xf32, #tpu.memory_space<vmem>>) dst(%dma_wait3A_503 : memref<131072xf32, #tpu.memory_space<any>>)
    %dma_wait3A_504 = arith.constant 16252928 : i32
    %dma_wait3A_505 = tpu.memref_slice %arg0[%dma_wait3A_504] : memref<16777216xf32, #tpu.memory_space<any>> -> memref<131072xf32, #tpu.memory_space<any>>
    tpu.wait_dma2 semaphore(%arg2 : memref<!tpu.dma_semaphore, #tpu.memory_space<semaphore_mem>>) src(%arg1 : memref<131072xf32, #tpu.memory_space<vmem>>) dst(%dma_wait3A_505 : memref<131072xf32, #tpu.memory_space<any>>)
    %dma_wait3A_506 = arith.constant 16384000 : i32
    %dma_wait3A_507 = tpu.memref_slice %arg0[%dma_wait3A_506] : memref<16777216xf32, #tpu.memory_space<any>> -> memref<131072xf32, #tpu.memory_space<any>>
    tpu.wait_dma2 semaphore(%arg2 : memref<!tpu.dma_semaphore, #tpu.memory_space<semaphore_mem>>) src(%arg1 : memref<131072xf32, #tpu.memory_space<vmem>>) dst(%dma_wait3A_507 : memref<131072xf32, #tpu.memory_space<any>>)
    %dma_wait3A_508 = arith.constant 16515072 : i32
    %dma_wait3A_509 = tpu.memref_slice %arg0[%dma_wait3A_508] : memref<16777216xf32, #tpu.memory_space<any>> -> memref<131072xf32, #tpu.memory_space<any>>
    tpu.wait_dma2 semaphore(%arg2 : memref<!tpu.dma_semaphore, #tpu.memory_space<semaphore_mem>>) src(%arg1 : memref<131072xf32, #tpu.memory_space<vmem>>) dst(%dma_wait3A_509 : memref<131072xf32, #tpu.memory_space<any>>)
    %dma_wait3A_510 = arith.constant 16646144 : i32
    %dma_wait3A_511 = tpu.memref_slice %arg0[%dma_wait3A_510] : memref<16777216xf32, #tpu.memory_space<any>> -> memref<131072xf32, #tpu.memory_space<any>>
    tpu.wait_dma2 semaphore(%arg2 : memref<!tpu.dma_semaphore, #tpu.memory_space<semaphore_mem>>) src(%arg1 : memref<131072xf32, #tpu.memory_space<vmem>>) dst(%dma_wait3A_511 : memref<131072xf32, #tpu.memory_space<any>>)
    return
  }
}

</mosaic_0001>

<sc_bundles>
// kernel: kernel.5.cloned.1.call-start
scs
__scs_entry_jumppad:
0x0: {  	(pc) =	sbr.rel $0x88, $3  }
0x1: {  	(tag) =	ssettag $0x0;
	lr =	simm.s32 $0x1  }
0x2: {  	[smem:$0x3F9F] =	sst lr;
	_ =	strace $0xD0000000  }
0x3: {  	_ = 	snop  }
0x4: {  	_ = 	snop  }
0x5: {  	_ = 	snop  }
0x6: {  	_ = 	snop  }
0x7: {  	_ = 	snop  }
__scs_overlays_trampoline_lowered:
0x8: {  	[smem:$0x3FAE] =	sst s0  }
0x9: {  	[smem:$0x3FAF] =	sst s1  }
0xa: {  	[smem:$0x3FB0] =	sst s2  }
0xb: {  	[smem:$0x3FB1] =	sst s3  }
0xc: {  	[smem:$0x3FB2] =	sst s4  }
0xd: {  	[smem:$0x3FB3] =	sst s5  }
0xe: {  	[smem:$0x3FB4] =	sst s6  }
0xf: {  	[smem:$0x3FB5] =	sst s7  }
0x10: {  	[smem:$0x3FB6] =	sst s8  }
0x11: {  	[smem:$0x3FB7] =	sst s9;
	s0 =	simm.s32 @!p0 $0x0  }
0x12: {  	s1 =	sld [smem:$0x3F9D];
	s0 =	simm.s32 @p0 $0x1  }
0x13: {  	[smem:$0x3FB8] =	sst s0;
	s0 =	simm.s32 @!p1 $0x0  }
0x14: {  	s2 =	sld [smem:$0x3F9C];
	s0 =	simm.s32 @p1 $0x1  }
0x15: {  	[smem:$0x3FB9] =	sst s0;
	s0 =	simm.s32 @!p2 $0x0  }
0x16: {  	s3 =	sld [smem:$0x3FDB];
	s0 =	simm.s32 @p2 $0x1  }
0x17: {  	s4 =	simm.s32 $0x1BF5;
	[smem:$0x3FBB] =	sst s0  }
0x18: {  	s0 =	sld [smem:$0x3F9E];
	_ =	swait.ge [sflag:s4], $0x0  }
0x19: {  	s7 =	sld [smem:$0x3F9F]  }
0x1a: {  	s8 =	sadd.s32 $0xFFFFE003, lr  }
0x1b: {  	s9 =	sadd.s32 $0xFFFFFEF7, lr;
	s5 =	simm.s32 $0xFFFFFFFF;
	p2 =	slt.u32 s8, $0xFFFFF086  }
0x1c: {  	p1 =	slt.u32 s9, $0xF7A;
	s5 =	simm.s32 @!p2 $0x0  }
0x1d: {  	s5 =	simm.s32 @p1 $0x1;
	p0 =	seq.s32 s7, s2  }
0x1e: {  	s7 =	smul.u32 @!p0 $0xF7A, s2;
	p2 =	seq.s32 @!p0 s5, $0x0  }
0x1f: {  	s9 =	smul.u32 $0xF7A, s1;
	s8 =	simm.s32 @!p0 $0x1BF5;
	p2 =	por !p2, p0  }
0x20: {  	[sflag:s8] =	ssyncset.s32 @!p0 $0xFFFFF086;
	s6 =	sadd.s32 @!p0 s3, s7;
	s7 =	simm.s32 @!p0 $0x108  }
0x21: {  	s3 =	sadd.s32 s3, s9;
	s6 =	sadd.s32 @!p0 $0x88, s6;
	s7 =	simm.s32 @p2 $0x1082  }
0x22: {  	[simem:s7], [sflag:s8] =	dma.local @!p0 [hbm:s6], $0xF7A  }
0x23: {  	s9 =	sor.u32 $0xD0000000, s2;
	s6 =	simm.s32 $0x108;
	_ =	swait.ge @!p0 [sflag:s8], $0x0  }
0x24: {  	s3 =	sadd.s32 $0x88, s3;
	s6 =	simm.s32 @!p1 $0x1082;
	[sflag:s4] =	ssyncset.s32 $0xFFFFF086  }
0x25: {  	[simem:s6], [sflag:s4] =	dma.local [hbm:s3], $0xF7A  }
0x26: {  	[smem:$0x3F9F] =	sst s1;
	(tag) =	ssettag s2;
	_ =	strace s9  }
0x27: {  	s1 =	sld [smem:$0x3FAF]  }
0x28: {  	s2 =	sld [smem:$0x3FB0]  }
0x29: {  	s4 =	sld [smem:$0x3FB2]  }
0x2a: {  	p0 =	seq.s32 s5, $0x0;
	s5 =	sld [smem:$0x3FB3]  }
0x2b: {  	s6 =	sld [smem:$0x3FB4]  }
0x2c: {  	s7 =	sld [smem:$0x3FB5]  }
0x2d: {  	s3 =	simm.s32 $0x108;
	s8 =	sld [smem:$0x3FB6]  }
0x2e: {  	s3 =	simm.s32 @!p0 $0x1082;
	s9 =	sld [smem:$0x3FB7]  }
0x2f: {  	lr =	sadd.s32 s0, s3;
	s0 =	sld [smem:$0x3FAE]  }
0x30: {  	s3 =	sld [smem:$0x3FB1]  }
0x31: {  	[smem:$0x3FBA] =	sst s10  }
0x32: {  	s10 =	sld [smem:$0x3FB8];
	_ =	sdelay $0x3  }
0x33: {  	p0 =	seq.s32 s10, $0x1;
	s10 =	sld [smem:$0x3FBA];
	_ =	sdelay $0x3  }
0x34: {  	[smem:$0x3FBA] =	sst s10  }
0x35: {  	s10 =	sld [smem:$0x3FB9];
	_ =	sdelay $0x3  }
0x36: {  	p1 =	seq.s32 s10, $0x1;
	s10 =	sld [smem:$0x3FBA];
	_ =	sdelay $0x3  }
0x37: {  	[smem:$0x3FBA] =	sst s10  }
0x38: {  	s10 =	sld [smem:$0x3FBB]  }
0x39: {  	_ = 	snop;
	(pc) =	sbr.ind lr, $3  }
0x3a: {  	_ = 	snop  }
0x3b: {  	_ = 	snop  }
0x3c: {  	p2 =	seq.s32 s10, $0x1;
	s10 =	sld [smem:$0x3FBA]  }
0x3d: {  	_ =	shalt  }
0x3e: {  	_ =	shalt  }
0x3f: {  	_ =	shalt  }
0x40: {  	_ =	shalt  }
0x41: {  	_ =	shalt  }
0x42: {  	_ =	shalt  }
0x43: {  	_ =	shalt  }
0x44: {  	_ =	shalt  }
0x45: {  	_ =	shalt  }
0x46: {  	_ =	shalt  }
0x47: {  	_ =	shalt  }
0x48: {  	_ =	shalt  }
0x49: {  	_ =	shalt  }
0x4a: {  	_ =	shalt  }
0x4b: {  	_ =	shalt  }
0x4c: {  	_ =	shalt  }
0x4d: {  	_ =	shalt  }
0x4e: {  	_ =	shalt  }
0x4f: {  	_ =	shalt  }
0x50: {  	_ =	shalt  }
0x51: {  	_ =	shalt  }
0x52: {  	_ =	shalt  }
0x53: {  	_ =	shalt  }
0x54: {  	_ =	shalt  }
0x55: {  	_ =	shalt  }
0x56: {  	_ =	shalt  }
0x57: {  	_ =	shalt  }
0x58: {  	_ =	shalt  }
0x59: {  	_ =	shalt  }
0x5a: {  	_ =	shalt  }
0x5b: {  	_ =	shalt  }
0x5c: {  	_ =	shalt  }
0x5d: {  	_ =	shalt  }
0x5e: {  	_ =	shalt  }
0x5f: {  	_ =	shalt  }
0x60: {  	_ =	shalt  }
0x61: {  	_ =	shalt  }
0x62: {  	_ =	shalt  }
0x63: {  	_ =	shalt  }
0x64: {  	_ =	shalt  }
0x65: {  	_ =	shalt  }
0x66: {  	_ =	shalt  }
0x67: {  	_ =	shalt  }
0x68: {  	_ =	shalt  }
0x69: {  	_ =	shalt  }
0x6a: {  	_ =	shalt  }
0x6b: {  	_ =	shalt  }
0x6c: {  	_ =	shalt  }
0x6d: {  	_ =	shalt  }
0x6e: {  	_ =	shalt  }
0x6f: {  	_ =	shalt  }
0x70: {  	_ =	shalt  }
0x71: {  	_ =	shalt  }
0x72: {  	_ =	shalt  }
0x73: {  	_ =	shalt  }
0x74: {  	_ =	shalt  }
0x75: {  	_ =	shalt  }
0x76: {  	_ =	shalt  }
0x77: {  	_ =	shalt  }
0x78: {  	_ =	shalt  }
0x79: {  	_ =	shalt  }
0x7a: {  	_ =	shalt  }
0x7b: {  	_ =	shalt  }
0x7c: {  	_ =	shalt  }
0x7d: {  	_ =	shalt  }
0x7e: {  	_ =	shalt  }
0x7f: {  	_ =	shalt  }
0x80: {  	_ =	shalt  }
0x81: {  	_ =	shalt  }
0x82: {  	_ =	shalt  }
0x83: {  	_ =	shalt  }
0x84: {  	_ =	shalt  }
0x85: {  	_ =	shalt  }
0x86: {  	_ =	shalt  }
0x87: {  	_ =	shalt  }
.Lfunc_end0:
.L_simem_size_0:
called_computation_lowered:
.L_overlay_start_0:
0x88: {  	s0 =	sld [smem:$0x3FD9]  }
0x89: {  	s1 =	sld [smem:$0x3FFE];
	_ =	sdelay $0x3  }
0x8a: {  	s0 =	sadd.s32 s1, s0  }
0x8b: {  	[smem:$0x3FC6] =	sst s0  }
0x8c: {  	_ = 	snop  }
0x8d: {  	s0 =	sld [smem:$0x3FC9]  }
0x8e: {  	s16 =	sld [smem:$0x3FC8];
	(tm) =	ssettm $0x1  }
0x8f: {  	s2 =	sld [smem:$0x3FFB];
	_ =	sdelay $0x3  }
0x90: {  	_ =	strace s2  }
0x91: {  	s2 =	sld [smem:$0x3FFC];
	_ =	sdelay $0x3  }
0x92: {  	_ =	strace s2  }
0x93: {  	s2 =	sld [smem:$0x3FFD];
	_ =	sdelay $0x3  }
0x94: {  	_ =	strace s2  }
0x95: {  	_ =	strace $0x8FFFFFFF  }
0x96: {  	s17 =	sld [smem:$0x3FDB];
	_ =	sdelay $0x1  }
0x97: {  	s3 =	simm.s32 $_scs_section_size  }
0x98: {  	s4 =	simm.s32 $_size__tile_overlayer_lowered;
	s5 =	simm.s32 $_tile_overlayer_lowered  }
0x99: {  	s20 =	simm.s32 $0x1BFF;
	s19 =	sshll.u32 s5, $0x1;
	s2 =	sadd.s32 s3, s17  }
0x9a: {  	s6 =	simm.s32 $0x0;
	s18 =	sshll.u32 s4, $0x1;
	s4 =	sadd.s32 s19, s2  }
0x9b: {  	[timem:s6], [sflag:s20] =	dma.local [hbm:s4], s18  }
0x9c: {  	_ =	swait.ge [sflag:s20], s18  }
0x9d: {  	s3 =	ssub.s32 $0x0, s18;
	[sflag:s20] =	ssyncset.done $0x0  }
0x9e: {  	[sflag:s20] =	ssyncadd.s32 s3;
	_ =	sdelay $0x1  }
0x9f: {  	s21 =	simm.s32 $0x1B8B  }
0xa0: {  	_ =	swait.ge [sflag:s21], $0x1  }
0xa1: {  	[sflag:s21] =	ssyncset.done $0x0  }
0xa2: {  	s23 =	simm.s32 $0x1B8E;
	s22 =	sld [smem:$0x3FFE];
	[sflag:s21] =	ssyncadd.s32 $0xFFFFFFFF  }
0xa3: {  	s24 =	simm.s32 $execute0_lowered;
	[smem:$0x3FD2] =	sst s23  }
0xa4: {  	s4 =	sshll.u32 s24, $0x1;
	_ =	strace $0x80000046;
	[dreg:$0x1] =	wrdreg $0xFFFFFFFF  }
0xa5: {  	s25 =	simm.s32 $_size_execute0_lowered;
	s2 =	sadd.s32 s2, s4;
	[dreg:$0x0] =	wrdreg $0x0  }
0xa6: {  	s4 =	sshll.u32 s25, $0x1;
	[dreg:$0x2] =	wrdreg s2  }
0xa7: {  	[dreg:$0x3] =	wrdreg s4  }
0xa8: {  	[dreg:$0x4] =	wrdreg $0xC0  }
0xa9: {  	_ =	task [dreg:s6], $0x5FFFF  }
0xaa: {  	[dreg:$0x1] =	wrdreg $0xFFFFFFFF  }
0xab: {  	[dreg:$0x0] =	wrdreg $0x60  }
0xac: {  	[dreg:$0x2] =	wrdreg s16  }
0xad: {  	[dreg:$0x3] =	wrdreg s0  }
0xae: {  	[dreg:$0x4] =	wrdreg s22  }
0xaf: {  	[dreg:$0x5] =	wrdreg $0x9  }
0xb0: {  	_ =	task.clear_ibuf [dreg:s6], $0x6FFFF;
	_ =	strace $0x90000046  }
0xb1: {  	s26 =	simm.s32 $0x9;
	_ =	strace $0x80000048  }
0xb2: {  	_ =	swait.ge [sflag:s26], $0x1  }
0xb3: {  	[sflag:s26] =	ssyncadd.s32 $0xFFFFFFFF  }
0xb4: {  	_ =	strace $0x90000048  }
0xb5: {  	_ =	sfence  }
0xb6: {  	s28 =	sld [smem:$0x0];
	_ =	sdelay $0x1  }
0xb7: {  	s29 =	srdreg.scid  }
0xb8: {  	s30 =	sshll.u32 s29, $0xD;
	s31 =	sshrl.u32 s29, $0x2  }
0xb9: {  	s1 =	sand.u32 $0x1, s29;
	s2 =	sand.u32 $0x4000, s30;
	s0 =	sadd.s32 s31, s28  }
0xba: {  	s1 =	sor.u32 s2, s1;
	s0 =	sshll.u32 s0, $0x11  }
0xbb: {  	s0 =	sor.u32 s0, s1  }
0xbc: {  	s0 =	sadd.s32 $0x8F2B, s0  }
0xbd: {  	[sflag:s0] =	ssyncadd.remote.s32 $0x1  }
0xbe: {  	_ =	sfence.sel $0xFFFF  }
0xbf: {  	[dreg:$0x0] =	wrdreg $0xFFFFFFFF;
	(pc) =	sbr.abs _section_cstart, $3  }
0xc0: {  	[dreg:$0x1] =	wrdreg $0xFFFFFFFF  }
0xc1: {  	_ =	task.clear_ibuf [dreg:s6], $0x2FFFF;
	_ =	strace $0x9FFFFFFF  }
0xc2: {  	(tm) =	ssettm $0x7FFFFFFF  }
0xc3: {  	_ =	shalt  }
tec
execute0_lowered:
.L_overlay_start_1:
0x0: {  	(tag) =	ssettag $0x1  }
0x1: {  	s1 =	rddreg [dreg:$0x0]  }
0x2: {  	s2 =	rddreg [dreg:$0x1]  }
0x3: {  	s3 =	rddreg [dreg:$0x2];
	s4 =	stileid.u32  }
0x4: {  	s0 =	rddreg [dreg:$0x3];
	_ =	strace $0x80000047;
	p0 =	sne.s32 s4, $0x0  }
0x5: {  	_ =	sfence.sel @p0 $0x180000  }
0x6: {  	[bflag:$0x0] =	sbarrier.arrive @p0 $0xFFFF  }
0x7: {  	_ =	strace @p0 $0x90000047  }
0x8: {  	s4 =	simm.s32 @!p0 $0x0;
	[bflag:$0x2] =	sbarrier.arrive @p0 $0xFFFF  }
0x9: {  	[tilespmem:s4], [sflag:$0x1] =	stream.linear.gather @!p0 [hbm4b:s1+s4], $0x1, $0x38;
	[tilespmem:$0x180] =	vst v63  }
0xa: {  	s1 =	simm.s32 @!p0 $0x1  }
0xb: {  	_ =	swait.ge @!p0 [sflag:s1], $0x1  }
0xc: {  	[sflag:s1] =	ssyncset.done @!p0 $0x0  }
0xd: {  	s5 =	simm.s32 @!p0 $0x80;
	[sflag:s1] =	ssyncadd.s32 @!p0 $0xFFFFFFFF  }
0xe: {  	[tilespmem:s5], [sflag:$0x1] =	stream.linear.gather @!p0 [hbm4b:s2+s4], $0x1, $0x38;
	[tilespmem:$0x180] =	vst v63  }
0xf: {  	_ =	swait.ge @!p0 [sflag:s1], $0x1  }
0x10: {  	[sflag:s1] =	ssyncset.done @!p0 $0x0  }
0x11: {  	[sflag:s1] =	ssyncadd.s32 @!p0 $0xFFFFFFFF  }
0x12: {  	v0 =	vld @!p0 [tilespmem:$0x0];
	_ =	sdelay $0x4  }
0x13: {  	(v2sf) =	vpush @!p0 v0, $0x0;
	_ =	sdelay $0xd  }
0x14: {  	v0 =	vld.msk @!p0 [tilespmem:$0x80 ss:$0x0], $0xffff  }
0x15: {  	s2 =	spop @!p0 (v2sf)  }
0x16: {  	s2 =	sand.u32 @!p0 $0x7F, s2  }
0x17: {  	v2 =	vlaneseq.u32 @!p0;
	v1 =	vmov @!p0 s2  }
0x18: {  	v3 =	vor.u32 @!p0 $0x10, v2;
	vm0 =	veq.s32 @!p0 v1, v2  }
0x19: {  	v4 =	vnsel @!p0 vm0, $0x0, v0;
	vm0 =	veq.s32 @!p0 v1, v3;
	v3 =	vor.u32 @!p0 $0x20, v2  }
0x1a: {  	[tilespmem:$0x100] =	vst @!p0 v4;
	v4 =	vnsel @!p0 vm0, $0x0, v0;
	vm0 =	veq.s32 @!p0 v1, v3;
	v3 =	vor.u32 @!p0 $0x30, v2  }
0x1b: {  	[tilespmem:$0x110] =	vst @!p0 v4;
	v4 =	vnsel @!p0 vm0, $0x0, v0;
	vm0 =	veq.s32 @!p0 v1, v3;
	v3 =	vor.u32 @!p0 $0x40, v2  }
0x1c: {  	[tilespmem:$0x120] =	vst @!p0 v4;
	v4 =	vnsel @!p0 vm0, $0x0, v0;
	vm0 =	veq.s32 @!p0 v1, v3;
	v3 =	vor.u32 @!p0 $0x50, v2  }
0x1d: {  	[tilespmem:$0x130] =	vst @!p0 v4;
	v4 =	vnsel @!p0 vm0, $0x0, v0;
	vm0 =	veq.s32 @!p0 v1, v3;
	v3 =	vor.u32 @!p0 $0x60, v2  }
0x1e: {  	v2 =	vor.u32 @!p0 $0x70, v2;
	[tilespmem:$0x140] =	vst @!p0 v4;
	v4 =	vnsel @!p0 vm0, $0x0, v0;
	vm0 =	veq.s32 @!p0 v1, v3  }
0x1f: {  	[tilespmem:$0x150] =	vst @!p0 v4;
	v3 =	vnsel @!p0 vm0, $0x0, v0;
	vm0 =	veq.s32 @!p0 v1, v2  }
0x20: {  	[tilespmem:$0x160] =	vst @!p0 v3;
	v0 =	vnsel @!p0 vm0, $0x0, v0  }
0x21: {  	s2 =	sadd.s32 $0x600, s3;
	s3 =	simm.s32 @!p0 $0x100;
	[tilespmem:$0x170] =	vst @!p0 v0  }
0x22: {  	[hbm4b:s2+s4] =	stream.linear.scatter @!p0 [tilespmem:s3], [sflag:$0x1], $0x80, $0x38;
	[tilespmem:$0x180] =	vst v63  }
0x23: {  	_ =	swait.ge @!p0 [sflag:s1], $0x80  }
0x24: {  	[sflag:s1] =	ssyncset.done @!p0 $0x0  }
0x25: {  	[sflag:s1] =	ssyncadd.s32 @!p0 $0xFFFFFF80  }
0x26: {  	_ =	sfence.sel @!p0 $0x180000  }
0x27: {  	[bflag:$0x0] =	sbarrier.arrive @!p0 $0xFFFF  }
0x28: {  	_ =	strace @!p0 $0x90000047  }
0x29: {  	s0 =	sadd.s32 @!p0 $0x100000, s0;
	[bflag:$0x2] =	sbarrier.arrive @!p0 $0xFFFF  }
0x2a: {  	[sflag:s0] =	ssyncadd.tile.s32 @!p0 $0x1;
	_ =	shalt  }
.Lfunc_end2:
_tile_overlayer_lowered:
.L_overlay_start_2:
0x2b: {  	(tag) =	ssettag $0x2  }
0x2c: {  	s0 =	rddreg [dreg:$0x0];
	s2 =	stileid.u32  }
0x2d: {  	s1 =	rddreg [dreg:$0x1];
	p0 =	sne.s32 s2, $0x0  }
0x2e: {  	s3 =	rddreg [dreg:$0x2];
	[bflag:$0x3] =	sbarrier.arrive $0xFFFF;
	s2 =	simm.s32 @!p0 $0x1C01  }
0x2f: {  	[timem:s3], [sflag:s2] =	dma.local @!p0 [hbm:s0], s1  }
0x30: {  	s0 =	simm.s32 @!p0 $0x1  }
0x31: {  	_ =	swait.ge @!p0 [sflag:s0], s1  }
0x32: {  	s1 =	ssub.s32 @!p0 $0x0, s1;
	[sflag:s0] =	ssyncset.done @!p0 $0x0  }
0x33: {  	[sflag:s0] =	ssyncadd.s32 @!p0 s1  }
0x34: {  	[bflag:$0x3] =	sbarrier.arrive $0xFFFF  }
0x35: {  	_ =	shalt  }

</sc_bundles>
